<compile_context>
chip_gen: v7x
topology: tpu7x:2x2x1
jax: 0.10.2.dev20260603
libtpu: 0.0.44.dev20260713+nightly
codegen_flags: <defaults>
</compile_context>

<pallas_src>
import functools

import jax
import jax.numpy as jnp
from jax import lax
from jax.experimental import pallas as pl
from jax.experimental.pallas import tpu as pltpu
from jax.experimental.pallas import tpu_sc as plsc

_NUM_EMB = 8192
_DIM = 256
_COMMIT = 0.25

_BM = 512
_BN = 1024
_N_TOKENS = 32 * 576
_GRID = _N_TOKENS // _BM

_NW = 32
_ROWS_PER_W = _N_TOKENS // _NW
_CH = 96
_NCH = _ROWS_PER_W // _CH


def _tc_body(z2_ref, e2_ref, z_ref, et_ref, idx_ref, min_ref, tot_ref):
    i = pl.program_id(0)
    zb2 = z_ref[...]
    z2 = z2_ref[...]

    run_min = jnp.full((_BM, 1), jnp.inf, dtype=jnp.float32)
    run_idx = jnp.full((_BM, 1), _NUM_EMB, dtype=jnp.int32)
    for k in range(_NUM_EMB // _BN):
        c0 = k * _BN
        scores = jnp.dot(zb2, et_ref[:, c0:c0 + _BN],
                         preferred_element_type=jnp.float32)
        d = (z2 + e2_ref[:, c0:c0 + _BN]) - scores
        m = jnp.min(d, axis=1, keepdims=True)
        cols = lax.broadcasted_iota(jnp.int32, d.shape, 1) + c0
        idx = jnp.min(jnp.where(d == m, cols, _NUM_EMB), axis=1,
                      keepdims=True)
        better = m < run_min
        run_idx = jnp.where(better, idx, run_idx)
        run_min = jnp.where(better, m, run_min)

    idx_ref[...] = run_idx
    min_ref[...] = run_min

    @pl.when(i == 0)
    def _():
        tot_ref[...] = jnp.zeros((1, 1), jnp.float32)
    tot_ref[...] += jnp.sum(min_ref[...]).reshape(1, 1)


def _tc_argmin(zb16, z2, e2, et16):
    return pl.pallas_call(
        _tc_body,
        grid=(_GRID,),
        in_specs=[
            pl.BlockSpec((_BM, 1), lambda i: (i, 0)),
            pl.BlockSpec((1, _NUM_EMB), lambda i: (0, 0)),
            pl.BlockSpec((_BM, _DIM), lambda i: (i, 0)),
            pl.BlockSpec((_DIM, _NUM_EMB), lambda i: (0, 0)),
        ],
        out_specs=[
            pl.BlockSpec((_BM, 1), lambda i: (i, 0)),
            pl.BlockSpec((_BM, 1), lambda i: (i, 0)),
            pl.BlockSpec((1, 1), lambda i: (0, 0)),
        ],
        out_shape=[
            jax.ShapeDtypeStruct((_N_TOKENS, 1), jnp.int32),
            jax.ShapeDtypeStruct((_N_TOKENS, 1), jnp.float32),
            jax.ShapeDtypeStruct((1, 1), jnp.float32),
        ],
    )(z2, e2, zb16, et16)


@functools.cache
def _make_sc_gather():
    mesh = plsc.VectorSubcoreMesh(core_axis_name="c", subcore_axis_name="s")

    @functools.partial(
        pl.kernel,
        out_type=jax.ShapeDtypeStruct((_N_TOKENS, _DIM), jnp.float32),
        mesh=mesh,
        scratch_types=[
            pltpu.VMEM((_ROWS_PER_W,), jnp.int32),
            pltpu.VMEM((_CH, _DIM), jnp.float32),
            pltpu.VMEM((_CH, _DIM), jnp.float32),
            pltpu.SemaphoreType.DMA,
            pltpu.SemaphoreType.DMA,
        ],
    )
    def sc_gather(emb_hbm, idx_hbm, out_hbm, idx_v, buf0, buf1, sem0, sem1):
        wid = lax.axis_index("s") * 2 + lax.axis_index("c")
        base = wid * _ROWS_PER_W
        pltpu.sync_copy(idx_hbm.at[pl.ds(base, _ROWS_PER_W)], idx_v)

        bufs = (buf0, buf1)
        sems = (sem0, sem1)

        def gather(j):
            return pltpu.async_copy(
                emb_hbm.at[idx_v.at[pl.ds(j * _CH, _CH)]],
                bufs[j % 2], sems[j % 2])

        prev = gather(0)
        for j in range(_NCH):
            nxt = gather(j + 1) if j + 1 < _NCH else None
            prev.wait()
            pltpu.sync_copy(bufs[j % 2],
                            out_hbm.at[pl.ds(base + j * _CH, _CH)])
            prev = nxt

    return sc_gather


def kernel(z, emb_weight):
    B, T, D = z.shape
    z_flat = z.reshape(-1, D)
    z2 = jnp.sum(z_flat ** 2, axis=1, keepdims=True)
    e2 = jnp.sum(emb_weight ** 2, axis=1).reshape(1, _NUM_EMB)
    zb16 = (2.0 * z_flat).astype(jnp.bfloat16)
    et16 = emb_weight.T.astype(jnp.bfloat16)

    idx2d, _min_unused, tot = _tc_argmin(zb16, z2, e2, et16)
    idx_flat = idx2d.reshape(-1)
    z_q_flat = _make_sc_gather()(emb_weight, idx_flat)

    z_q = z_q_flat.reshape(B, T, D)
    loss = (_COMMIT / (_N_TOKENS * _DIM)) * tot[0, 0]
    return (z_q, idx_flat.reshape(B, T), loss)

# --- scband reference (transcript-rebuilt; emitter-appended) ---
"""Pipeline reference for scband-vector-quantizer-8796093022597 (READ-ONLY COPY).

The authoritative reference and input builder live on the scoring server;
editing this copy changes nothing except your own understanding.
"""

import jax, jax.numpy as jnp
import numpy as np

NUM_EMBEDDINGS = 8192
EMBEDDING_DIM = 256
COMMITMENT_COST = 0.25


def setup_inputs(seed: int = 0) -> dict:
    key = jax.random.key(seed)
    k1, k2 = jax.random.split(key)
    z = jax.random.normal(k1, (32, 576, EMBEDDING_DIM), dtype=jnp.float32)
    # nn.init.uniform_(weight, -1/K, 1/K)
    emb_weight = jax.random.uniform(
        k2, (NUM_EMBEDDINGS, EMBEDDING_DIM), dtype=jnp.float32,
        minval=-1.0 / NUM_EMBEDDINGS, maxval=1.0 / NUM_EMBEDDINGS)
    return {"z": z, "emb_weight": emb_weight}


def reference(z, emb_weight):
    B, T, D = z.shape
    z_flat = z.reshape(-1, D)
    d = (jnp.sum(z_flat ** 2, axis=1, keepdims=True)
         + jnp.sum(emb_weight ** 2, axis=1)
         - 2.0 * z_flat @ emb_weight.T)
    indices = jnp.argmin(d, axis=1)
    z_q = jnp.take(emb_weight, indices, axis=0).reshape(B, T, D)
    # straight-through estimator
    z_q_st = z + jax.lax.stop_gradient(z_q - z)
    loss = COMMITMENT_COST * jnp.mean((z - jax.lax.stop_gradient(z_q_st)) ** 2)
    return (z_q_st, indices.reshape(B, T), loss)

if __name__ == "__main__":
    import jax
    _d = setup_inputs()
    print(jax.jit(kernel)(*tuple(_d.values())))

</pallas_src>

<mosaic_0001>
#map = affine_map<(d0, d1) -> (0, 0)>
#map1 = affine_map<(d0, d1) -> (0)>
module attributes {stable_mosaic.version = 14 : i64} {
  func.func @sc_gather(%arg0: i32, %arg1: i32, %arg2: memref<8192x256xf32, #tpu.memory_space<hbm>>, %arg3: memref<18432xi32, #tpu.memory_space<hbm>>, %arg4: memref<18432x256xf32, #tpu.memory_space<hbm>>, %arg5: memref<576xi32, #tpu.memory_space<vmem>>, %arg6: memref<96x256xf32, #tpu.memory_space<vmem>>, %arg7: memref<96x256xf32, #tpu.memory_space<vmem>>, %arg8: memref<!tpu.dma_semaphore, #tpu.memory_space<semaphore_mem>>, %arg9: memref<!tpu.dma_semaphore, #tpu.memory_space<semaphore_mem>>) attributes {dimension_semantics = [#tpu.dimension_semantics<core_parallel>, #tpu.dimension_semantics<subcore_parallel>], iteration_bounds = array<i64: 2, 16>, scalar_prefetch = 0 : i64, scratch_operands = 5 : i64, tpu.core_type = #tpu.core_type<sc_vector_subcore>, window_params = [{transform_indices = #map}, {transform_indices = #map1}, {transform_indices = #map}]} {
    %mul3A = arith.constant 2 : i32
    %mul3A_0 = arith.muli %arg1, %mul3A : i32
    %add3A = arith.addi %mul3A_0, %arg0 : i32
    %mul3A_1 = arith.constant 576 : i32
    %mul3A_2 = arith.muli %add3A, %mul3A_1 : i32
    "tpu.region"() ({
      %run_scoped3A = tpu.sem_alloc : memref<!tpu.dma_semaphore, #tpu.memory_space<semaphore_mem>>
      %dma_start3A_73 = tpu.memref_slice %arg3[%mul3A_2] : memref<18432xi32, #tpu.memory_space<hbm>> -> memref<576xi32, #tpu.memory_space<hbm>>
      %dma_start3A_74 = tpu.memref_slice %arg3[%mul3A_2] : memref<18432xi32, #tpu.memory_space<hbm>> -> memref<576xi32, #tpu.memory_space<hbm>>
      tpu.enqueue_dma source(%dma_start3A_74 : memref<576xi32, #tpu.memory_space<hbm>>) target(%arg5 : memref<576xi32, #tpu.memory_space<vmem>>) target_semaphore(%run_scoped3A : memref<!tpu.dma_semaphore, #tpu.memory_space<semaphore_mem>>)
      %dma_wait3A_75 = tpu.memref_slice %arg3[%mul3A_2] : memref<18432xi32, #tpu.memory_space<hbm>> -> memref<576xi32, #tpu.memory_space<hbm>>
      %dma_wait3A_76 = tpu.memref_slice %arg3[%mul3A_2] : memref<18432xi32, #tpu.memory_space<hbm>> -> memref<576xi32, #tpu.memory_space<hbm>>
      tpu.wait_dma2 semaphore(%run_scoped3A : memref<!tpu.dma_semaphore, #tpu.memory_space<semaphore_mem>>) src(%dma_wait3A_76 : memref<576xi32, #tpu.memory_space<hbm>>) dst(%arg5 : memref<576xi32, #tpu.memory_space<vmem>>)
      tpu.yield
    }) : () -> ()
    %dma_start3A = arith.constant 0 : i32
    %dma_start3A_3 = tpu.memref_slice %arg5[%dma_start3A] : memref<576xi32, #tpu.memory_space<vmem>> -> memref<96xi32, #tpu.memory_space<vmem>>
    %dma_start3A_4 = arith.constant 0 : i32
    %dma_start3A_5 = arith.constant 0 : i32
    %dma_start3A_6 = tpu.memref_slice %arg2[%dma_start3A_4, %dma_start3A_5] : memref<8192x256xf32, #tpu.memory_space<hbm>> -> memref<8192x256xf32, #tpu.memory_space<hbm>>
    tpu.enqueue_indirect_dma source(%dma_start3A_6 : memref<8192x256xf32, #tpu.memory_space<hbm>>) target(%arg6 : memref<96x256xf32, #tpu.memory_space<vmem>>) offsets(%dma_start3A_3 : memref<96xi32, #tpu.memory_space<vmem>>) semaphore(%arg8 : memref<!tpu.dma_semaphore, #tpu.memory_space<semaphore_mem>>)
    %dma_start3A_7 = arith.constant 96 : i32
    %dma_start3A_8 = tpu.memref_slice %arg5[%dma_start3A_7] : memref<576xi32, #tpu.memory_space<vmem>> -> memref<96xi32, #tpu.memory_space<vmem>>
    %dma_start3A_9 = arith.constant 0 : i32
    %dma_start3A_10 = arith.constant 0 : i32
    %dma_start3A_11 = tpu.memref_slice %arg2[%dma_start3A_9, %dma_start3A_10] : memref<8192x256xf32, #tpu.memory_space<hbm>> -> memref<8192x256xf32, #tpu.memory_space<hbm>>
    tpu.enqueue_indirect_dma source(%dma_start3A_11 : memref<8192x256xf32, #tpu.memory_space<hbm>>) target(%arg7 : memref<96x256xf32, #tpu.memory_space<vmem>>) offsets(%dma_start3A_8 : memref<96xi32, #tpu.memory_space<vmem>>) semaphore(%arg9 : memref<!tpu.dma_semaphore, #tpu.memory_space<semaphore_mem>>)
    %dma_wait3A = arith.constant 0 : i32
    %dma_wait3A_12 = tpu.memref_slice %arg5[%dma_wait3A] : memref<576xi32, #tpu.memory_space<vmem>> -> memref<96xi32, #tpu.memory_space<vmem>>
    %dma_wait3A_13 = arith.constant 0 : i32
    %dma_wait3A_14 = arith.constant 0 : i32
    %dma_wait3A_15 = tpu.memref_slice %arg2[%dma_wait3A_13, %dma_wait3A_14] : memref<8192x256xf32, #tpu.memory_space<hbm>> -> memref<8192x256xf32, #tpu.memory_space<hbm>>
    tpu.wait_indirect_dma semaphore(%arg8 : memref<!tpu.dma_semaphore, #tpu.memory_space<semaphore_mem>>) src(%dma_wait3A_15 : memref<8192x256xf32, #tpu.memory_space<hbm>>) dst(%arg6 : memref<96x256xf32, #tpu.memory_space<vmem>>)
    %add3A_16 = arith.constant 0 : i32
    %add3A_17 = arith.addi %mul3A_2, %add3A_16 : i32
    "tpu.region"() ({
      %run_scoped3A = tpu.sem_alloc : memref<!tpu.dma_semaphore, #tpu.memory_space<semaphore_mem>>
      %dma_start3A_73 = arith.constant 0 : i32
      %dma_start3A_74 = tpu.memref_slice %arg4[%add3A_17, %dma_start3A_73] : memref<18432x256xf32, #tpu.memory_space<hbm>> -> memref<96x256xf32, #tpu.memory_space<hbm>>
      %dma_start3A_75 = arith.constant 0 : i32
      %dma_start3A_76 = tpu.memref_slice %arg4[%add3A_17, %dma_start3A_75] : memref<18432x256xf32, #tpu.memory_space<hbm>> -> memref<96x256xf32, #tpu.memory_space<hbm>>
      tpu.enqueue_dma source(%arg6 : memref<96x256xf32, #tpu.memory_space<vmem>>) target(%dma_start3A_76 : memref<96x256xf32, #tpu.memory_space<hbm>>) target_semaphore(%run_scoped3A : memref<!tpu.dma_semaphore, #tpu.memory_space<semaphore_mem>>)
      %dma_wait3A_77 = arith.constant 0 : i32
      %dma_wait3A_78 = tpu.memref_slice %arg4[%add3A_17, %dma_wait3A_77] : memref<18432x256xf32, #tpu.memory_space<hbm>> -> memref<96x256xf32, #tpu.memory_space<hbm>>
      %dma_wait3A_79 = arith.constant 0 : i32
      %dma_wait3A_80 = tpu.memref_slice %arg4[%add3A_17, %dma_wait3A_79] : memref<18432x256xf32, #tpu.memory_space<hbm>> -> memref<96x256xf32, #tpu.memory_space<hbm>>
      tpu.wait_dma2 semaphore(%run_scoped3A : memref<!tpu.dma_semaphore, #tpu.memory_space<semaphore_mem>>) src(%arg6 : memref<96x256xf32, #tpu.memory_space<vmem>>) dst(%dma_wait3A_80 : memref<96x256xf32, #tpu.memory_space<hbm>>)
      tpu.yield
    }) : () -> ()
    %dma_start3A_18 = arith.constant 192 : i32
    %dma_start3A_19 = tpu.memref_slice %arg5[%dma_start3A_18] : memref<576xi32, #tpu.memory_space<vmem>> -> memref<96xi32, #tpu.memory_space<vmem>>
    %dma_start3A_20 = arith.constant 0 : i32
    %dma_start3A_21 = arith.constant 0 : i32
    %dma_start3A_22 = tpu.memref_slice %arg2[%dma_start3A_20, %dma_start3A_21] : memref<8192x256xf32, #tpu.memory_space<hbm>> -> memref<8192x256xf32, #tpu.memory_space<hbm>>
    tpu.enqueue_indirect_dma source(%dma_start3A_22 : memref<8192x256xf32, #tpu.memory_space<hbm>>) target(%arg6 : memref<96x256xf32, #tpu.memory_space<vmem>>) offsets(%dma_start3A_19 : memref<96xi32, #tpu.memory_space<vmem>>) semaphore(%arg8 : memref<!tpu.dma_semaphore, #tpu.memory_space<semaphore_mem>>)
    %dma_wait3A_23 = arith.constant 96 : i32
    %dma_wait3A_24 = tpu.memref_slice %arg5[%dma_wait3A_23] : memref<576xi32, #tpu.memory_space<vmem>> -> memref<96xi32, #tpu.memory_space<vmem>>
    %dma_wait3A_25 = arith.constant 0 : i32
    %dma_wait3A_26 = arith.constant 0 : i32
    %dma_wait3A_27 = tpu.memref_slice %arg2[%dma_wait3A_25, %dma_wait3A_26] : memref<8192x256xf32, #tpu.memory_space<hbm>> -> memref<8192x256xf32, #tpu.memory_space<hbm>>
    tpu.wait_indirect_dma semaphore(%arg9 : memref<!tpu.dma_semaphore, #tpu.memory_space<semaphore_mem>>) src(%dma_wait3A_27 : memref<8192x256xf32, #tpu.memory_space<hbm>>) dst(%arg7 : memref<96x256xf32, #tpu.memory_space<vmem>>)
    %add3A_28 = arith.constant 96 : i32
    %add3A_29 = arith.addi %mul3A_2, %add3A_28 : i32
    "tpu.region"() ({
      %run_scoped3A = tpu.sem_alloc : memref<!tpu.dma_semaphore, #tpu.memory_space<semaphore_mem>>
      %dma_start3A_73 = arith.constant 0 : i32
      %dma_start3A_74 = tpu.memref_slice %arg4[%add3A_29, %dma_start3A_73] : memref<18432x256xf32, #tpu.memory_space<hbm>> -> memref<96x256xf32, #tpu.memory_space<hbm>>
      %dma_start3A_75 = arith.constant 0 : i32
      %dma_start3A_76 = tpu.memref_slice %arg4[%add3A_29, %dma_start3A_75] : memref<18432x256xf32, #tpu.memory_space<hbm>> -> memref<96x256xf32, #tpu.memory_space<hbm>>
      tpu.enqueue_dma source(%arg7 : memref<96x256xf32, #tpu.memory_space<vmem>>) target(%dma_start3A_76 : memref<96x256xf32, #tpu.memory_space<hbm>>) target_semaphore(%run_scoped3A : memref<!tpu.dma_semaphore, #tpu.memory_space<semaphore_mem>>)
      %dma_wait3A_77 = arith.constant 0 : i32
      %dma_wait3A_78 = tpu.memref_slice %arg4[%add3A_29, %dma_wait3A_77] : memref<18432x256xf32, #tpu.memory_space<hbm>> -> memref<96x256xf32, #tpu.memory_space<hbm>>
      %dma_wait3A_79 = arith.constant 0 : i32
      %dma_wait3A_80 = tpu.memref_slice %arg4[%add3A_29, %dma_wait3A_79] : memref<18432x256xf32, #tpu.memory_space<hbm>> -> memref<96x256xf32, #tpu.memory_space<hbm>>
      tpu.wait_dma2 semaphore(%run_scoped3A : memref<!tpu.dma_semaphore, #tpu.memory_space<semaphore_mem>>) src(%arg7 : memref<96x256xf32, #tpu.memory_space<vmem>>) dst(%dma_wait3A_80 : memref<96x256xf32, #tpu.memory_space<hbm>>)
      tpu.yield
    }) : () -> ()
    %dma_start3A_30 = arith.constant 288 : i32
    %dma_start3A_31 = tpu.memref_slice %arg5[%dma_start3A_30] : memref<576xi32, #tpu.memory_space<vmem>> -> memref<96xi32, #tpu.memory_space<vmem>>
    %dma_start3A_32 = arith.constant 0 : i32
    %dma_start3A_33 = arith.constant 0 : i32
    %dma_start3A_34 = tpu.memref_slice %arg2[%dma_start3A_32, %dma_start3A_33] : memref<8192x256xf32, #tpu.memory_space<hbm>> -> memref<8192x256xf32, #tpu.memory_space<hbm>>
    tpu.enqueue_indirect_dma source(%dma_start3A_34 : memref<8192x256xf32, #tpu.memory_space<hbm>>) target(%arg7 : memref<96x256xf32, #tpu.memory_space<vmem>>) offsets(%dma_start3A_31 : memref<96xi32, #tpu.memory_space<vmem>>) semaphore(%arg9 : memref<!tpu.dma_semaphore, #tpu.memory_space<semaphore_mem>>)
    %dma_wait3A_35 = arith.constant 192 : i32
    %dma_wait3A_36 = tpu.memref_slice %arg5[%dma_wait3A_35] : memref<576xi32, #tpu.memory_space<vmem>> -> memref<96xi32, #tpu.memory_space<vmem>>
    %dma_wait3A_37 = arith.constant 0 : i32
    %dma_wait3A_38 = arith.constant 0 : i32
    %dma_wait3A_39 = tpu.memref_slice %arg2[%dma_wait3A_37, %dma_wait3A_38] : memref<8192x256xf32, #tpu.memory_space<hbm>> -> memref<8192x256xf32, #tpu.memory_space<hbm>>
    tpu.wait_indirect_dma semaphore(%arg8 : memref<!tpu.dma_semaphore, #tpu.memory_space<semaphore_mem>>) src(%dma_wait3A_39 : memref<8192x256xf32, #tpu.memory_space<hbm>>) dst(%arg6 : memref<96x256xf32, #tpu.memory_space<vmem>>)
    %add3A_40 = arith.constant 192 : i32
    %add3A_41 = arith.addi %mul3A_2, %add3A_40 : i32
    "tpu.region"() ({
      %run_scoped3A = tpu.sem_alloc : memref<!tpu.dma_semaphore, #tpu.memory_space<semaphore_mem>>
      %dma_start3A_73 = arith.constant 0 : i32
      %dma_start3A_74 = tpu.memref_slice %arg4[%add3A_41, %dma_start3A_73] : memref<18432x256xf32, #tpu.memory_space<hbm>> -> memref<96x256xf32, #tpu.memory_space<hbm>>
      %dma_start3A_75 = arith.constant 0 : i32
      %dma_start3A_76 = tpu.memref_slice %arg4[%add3A_41, %dma_start3A_75] : memref<18432x256xf32, #tpu.memory_space<hbm>> -> memref<96x256xf32, #tpu.memory_space<hbm>>
      tpu.enqueue_dma source(%arg6 : memref<96x256xf32, #tpu.memory_space<vmem>>) target(%dma_start3A_76 : memref<96x256xf32, #tpu.memory_space<hbm>>) target_semaphore(%run_scoped3A : memref<!tpu.dma_semaphore, #tpu.memory_space<semaphore_mem>>)
      %dma_wait3A_77 = arith.constant 0 : i32
      %dma_wait3A_78 = tpu.memref_slice %arg4[%add3A_41, %dma_wait3A_77] : memref<18432x256xf32, #tpu.memory_space<hbm>> -> memref<96x256xf32, #tpu.memory_space<hbm>>
      %dma_wait3A_79 = arith.constant 0 : i32
      %dma_wait3A_80 = tpu.memref_slice %arg4[%add3A_41, %dma_wait3A_79] : memref<18432x256xf32, #tpu.memory_space<hbm>> -> memref<96x256xf32, #tpu.memory_space<hbm>>
      tpu.wait_dma2 semaphore(%run_scoped3A : memref<!tpu.dma_semaphore, #tpu.memory_space<semaphore_mem>>) src(%arg6 : memref<96x256xf32, #tpu.memory_space<vmem>>) dst(%dma_wait3A_80 : memref<96x256xf32, #tpu.memory_space<hbm>>)
      tpu.yield
    }) : () -> ()
    %dma_start3A_42 = arith.constant 384 : i32
    %dma_start3A_43 = tpu.memref_slice %arg5[%dma_start3A_42] : memref<576xi32, #tpu.memory_space<vmem>> -> memref<96xi32, #tpu.memory_space<vmem>>
    %dma_start3A_44 = arith.constant 0 : i32
    %dma_start3A_45 = arith.constant 0 : i32
    %dma_start3A_46 = tpu.memref_slice %arg2[%dma_start3A_44, %dma_start3A_45] : memref<8192x256xf32, #tpu.memory_space<hbm>> -> memref<8192x256xf32, #tpu.memory_space<hbm>>
    tpu.enqueue_indirect_dma source(%dma_start3A_46 : memref<8192x256xf32, #tpu.memory_space<hbm>>) target(%arg6 : memref<96x256xf32, #tpu.memory_space<vmem>>) offsets(%dma_start3A_43 : memref<96xi32, #tpu.memory_space<vmem>>) semaphore(%arg8 : memref<!tpu.dma_semaphore, #tpu.memory_space<semaphore_mem>>)
    %dma_wait3A_47 = arith.constant 288 : i32
    %dma_wait3A_48 = tpu.memref_slice %arg5[%dma_wait3A_47] : memref<576xi32, #tpu.memory_space<vmem>> -> memref<96xi32, #tpu.memory_space<vmem>>
    %dma_wait3A_49 = arith.constant 0 : i32
    %dma_wait3A_50 = arith.constant 0 : i32
    %dma_wait3A_51 = tpu.memref_slice %arg2[%dma_wait3A_49, %dma_wait3A_50] : memref<8192x256xf32, #tpu.memory_space<hbm>> -> memref<8192x256xf32, #tpu.memory_space<hbm>>
    tpu.wait_indirect_dma semaphore(%arg9 : memref<!tpu.dma_semaphore, #tpu.memory_space<semaphore_mem>>) src(%dma_wait3A_51 : memref<8192x256xf32, #tpu.memory_space<hbm>>) dst(%arg7 : memref<96x256xf32, #tpu.memory_space<vmem>>)
    %add3A_52 = arith.constant 288 : i32
    %add3A_53 = arith.addi %mul3A_2, %add3A_52 : i32
    "tpu.region"() ({
      %run_scoped3A = tpu.sem_alloc : memref<!tpu.dma_semaphore, #tpu.memory_space<semaphore_mem>>
      %dma_start3A_73 = arith.constant 0 : i32
      %dma_start3A_74 = tpu.memref_slice %arg4[%add3A_53, %dma_start3A_73] : memref<18432x256xf32, #tpu.memory_space<hbm>> -> memref<96x256xf32, #tpu.memory_space<hbm>>
      %dma_start3A_75 = arith.constant 0 : i32
      %dma_start3A_76 = tpu.memref_slice %arg4[%add3A_53, %dma_start3A_75] : memref<18432x256xf32, #tpu.memory_space<hbm>> -> memref<96x256xf32, #tpu.memory_space<hbm>>
      tpu.enqueue_dma source(%arg7 : memref<96x256xf32, #tpu.memory_space<vmem>>) target(%dma_start3A_76 : memref<96x256xf32, #tpu.memory_space<hbm>>) target_semaphore(%run_scoped3A : memref<!tpu.dma_semaphore, #tpu.memory_space<semaphore_mem>>)
      %dma_wait3A_77 = arith.constant 0 : i32
      %dma_wait3A_78 = tpu.memref_slice %arg4[%add3A_53, %dma_wait3A_77] : memref<18432x256xf32, #tpu.memory_space<hbm>> -> memref<96x256xf32, #tpu.memory_space<hbm>>
      %dma_wait3A_79 = arith.constant 0 : i32
      %dma_wait3A_80 = tpu.memref_slice %arg4[%add3A_53, %dma_wait3A_79] : memref<18432x256xf32, #tpu.memory_space<hbm>> -> memref<96x256xf32, #tpu.memory_space<hbm>>
      tpu.wait_dma2 semaphore(%run_scoped3A : memref<!tpu.dma_semaphore, #tpu.memory_space<semaphore_mem>>) src(%arg7 : memref<96x256xf32, #tpu.memory_space<vmem>>) dst(%dma_wait3A_80 : memref<96x256xf32, #tpu.memory_space<hbm>>)
      tpu.yield
    }) : () -> ()
    %dma_start3A_54 = arith.constant 480 : i32
    %dma_start3A_55 = tpu.memref_slice %arg5[%dma_start3A_54] : memref<576xi32, #tpu.memory_space<vmem>> -> memref<96xi32, #tpu.memory_space<vmem>>
    %dma_start3A_56 = arith.constant 0 : i32
    %dma_start3A_57 = arith.constant 0 : i32
    %dma_start3A_58 = tpu.memref_slice %arg2[%dma_start3A_56, %dma_start3A_57] : memref<8192x256xf32, #tpu.memory_space<hbm>> -> memref<8192x256xf32, #tpu.memory_space<hbm>>
    tpu.enqueue_indirect_dma source(%dma_start3A_58 : memref<8192x256xf32, #tpu.memory_space<hbm>>) target(%arg7 : memref<96x256xf32, #tpu.memory_space<vmem>>) offsets(%dma_start3A_55 : memref<96xi32, #tpu.memory_space<vmem>>) semaphore(%arg9 : memref<!tpu.dma_semaphore, #tpu.memory_space<semaphore_mem>>)
    %dma_wait3A_59 = arith.constant 384 : i32
    %dma_wait3A_60 = tpu.memref_slice %arg5[%dma_wait3A_59] : memref<576xi32, #tpu.memory_space<vmem>> -> memref<96xi32, #tpu.memory_space<vmem>>
    %dma_wait3A_61 = arith.constant 0 : i32
    %dma_wait3A_62 = arith.constant 0 : i32
    %dma_wait3A_63 = tpu.memref_slice %arg2[%dma_wait3A_61, %dma_wait3A_62] : memref<8192x256xf32, #tpu.memory_space<hbm>> -> memref<8192x256xf32, #tpu.memory_space<hbm>>
    tpu.wait_indirect_dma semaphore(%arg8 : memref<!tpu.dma_semaphore, #tpu.memory_space<semaphore_mem>>) src(%dma_wait3A_63 : memref<8192x256xf32, #tpu.memory_space<hbm>>) dst(%arg6 : memref<96x256xf32, #tpu.memory_space<vmem>>)
    %add3A_64 = arith.constant 384 : i32
    %add3A_65 = arith.addi %mul3A_2, %add3A_64 : i32
    "tpu.region"() ({
      %run_scoped3A = tpu.sem_alloc : memref<!tpu.dma_semaphore, #tpu.memory_space<semaphore_mem>>
      %dma_start3A_73 = arith.constant 0 : i32
      %dma_start3A_74 = tpu.memref_slice %arg4[%add3A_65, %dma_start3A_73] : memref<18432x256xf32, #tpu.memory_space<hbm>> -> memref<96x256xf32, #tpu.memory_space<hbm>>
      %dma_start3A_75 = arith.constant 0 : i32
      %dma_start3A_76 = tpu.memref_slice %arg4[%add3A_65, %dma_start3A_75] : memref<18432x256xf32, #tpu.memory_space<hbm>> -> memref<96x256xf32, #tpu.memory_space<hbm>>
      tpu.enqueue_dma source(%arg6 : memref<96x256xf32, #tpu.memory_space<vmem>>) target(%dma_start3A_76 : memref<96x256xf32, #tpu.memory_space<hbm>>) target_semaphore(%run_scoped3A : memref<!tpu.dma_semaphore, #tpu.memory_space<semaphore_mem>>)
      %dma_wait3A_77 = arith.constant 0 : i32
      %dma_wait3A_78 = tpu.memref_slice %arg4[%add3A_65, %dma_wait3A_77] : memref<18432x256xf32, #tpu.memory_space<hbm>> -> memref<96x256xf32, #tpu.memory_space<hbm>>
      %dma_wait3A_79 = arith.constant 0 : i32
      %dma_wait3A_80 = tpu.memref_slice %arg4[%add3A_65, %dma_wait3A_79] : memref<18432x256xf32, #tpu.memory_space<hbm>> -> memref<96x256xf32, #tpu.memory_space<hbm>>
      tpu.wait_dma2 semaphore(%run_scoped3A : memref<!tpu.dma_semaphore, #tpu.memory_space<semaphore_mem>>) src(%arg6 : memref<96x256xf32, #tpu.memory_space<vmem>>) dst(%dma_wait3A_80 : memref<96x256xf32, #tpu.memory_space<hbm>>)
      tpu.yield
    }) : () -> ()
    %dma_wait3A_66 = arith.constant 480 : i32
    %dma_wait3A_67 = tpu.memref_slice %arg5[%dma_wait3A_66] : memref<576xi32, #tpu.memory_space<vmem>> -> memref<96xi32, #tpu.memory_space<vmem>>
    %dma_wait3A_68 = arith.constant 0 : i32
    %dma_wait3A_69 = arith.constant 0 : i32
    %dma_wait3A_70 = tpu.memref_slice %arg2[%dma_wait3A_68, %dma_wait3A_69] : memref<8192x256xf32, #tpu.memory_space<hbm>> -> memref<8192x256xf32, #tpu.memory_space<hbm>>
    tpu.wait_indirect_dma semaphore(%arg9 : memref<!tpu.dma_semaphore, #tpu.memory_space<semaphore_mem>>) src(%dma_wait3A_70 : memref<8192x256xf32, #tpu.memory_space<hbm>>) dst(%arg7 : memref<96x256xf32, #tpu.memory_space<vmem>>)
    %add3A_71 = arith.constant 480 : i32
    %add3A_72 = arith.addi %mul3A_2, %add3A_71 : i32
    "tpu.region"() ({
      %run_scoped3A = tpu.sem_alloc : memref<!tpu.dma_semaphore, #tpu.memory_space<semaphore_mem>>
      %dma_start3A_73 = arith.constant 0 : i32
      %dma_start3A_74 = tpu.memref_slice %arg4[%add3A_72, %dma_start3A_73] : memref<18432x256xf32, #tpu.memory_space<hbm>> -> memref<96x256xf32, #tpu.memory_space<hbm>>
      %dma_start3A_75 = arith.constant 0 : i32
      %dma_start3A_76 = tpu.memref_slice %arg4[%add3A_72, %dma_start3A_75] : memref<18432x256xf32, #tpu.memory_space<hbm>> -> memref<96x256xf32, #tpu.memory_space<hbm>>
      tpu.enqueue_dma source(%arg7 : memref<96x256xf32, #tpu.memory_space<vmem>>) target(%dma_start3A_76 : memref<96x256xf32, #tpu.memory_space<hbm>>) target_semaphore(%run_scoped3A : memref<!tpu.dma_semaphore, #tpu.memory_space<semaphore_mem>>)
      %dma_wait3A_77 = arith.constant 0 : i32
      %dma_wait3A_78 = tpu.memref_slice %arg4[%add3A_72, %dma_wait3A_77] : memref<18432x256xf32, #tpu.memory_space<hbm>> -> memref<96x256xf32, #tpu.memory_space<hbm>>
      %dma_wait3A_79 = arith.constant 0 : i32
      %dma_wait3A_80 = tpu.memref_slice %arg4[%add3A_72, %dma_wait3A_79] : memref<18432x256xf32, #tpu.memory_space<hbm>> -> memref<96x256xf32, #tpu.memory_space<hbm>>
      tpu.wait_dma2 semaphore(%run_scoped3A : memref<!tpu.dma_semaphore, #tpu.memory_space<semaphore_mem>>) src(%arg7 : memref<96x256xf32, #tpu.memory_space<vmem>>) dst(%dma_wait3A_80 : memref<96x256xf32, #tpu.memory_space<hbm>>)
      tpu.yield
    }) : () -> ()
    return
  }
}

module attributes {stable_mosaic.version = 14 : i64} {
  func.func @_tc_body(%arg0: i32, %arg1: memref<512x1xf32, #tpu.memory_space<vmem>>, %arg2: memref<1x8192xf32, #tpu.memory_space<vmem>>, %arg3: memref<512x256xbf16, #tpu.memory_space<vmem>>, %arg4: memref<256x8192xbf16, #tpu.memory_space<vmem>>, %arg5: memref<512x1xi32, #tpu.memory_space<vmem>>, %arg6: memref<512x1xf32, #tpu.memory_space<vmem>>, %arg7: memref<1x1xf32, #tpu.memory_space<vmem>>) attributes {dimension_semantics = [#tpu.dimension_semantics<arbitrary>], iteration_bounds = array<i64: 36>, scalar_prefetch = 0 : i64, scratch_operands = 0 : i64, tpu.core_type = #tpu.core_type<tc>, window_params = [{transform_indices = @transform_0, window_bounds = array<i64: 512, 1>}, {pipeline_mode = #tpu.pipeline_mode<synchronous>, transform_indices = @transform_1, window_bounds = array<i64: 1, 8192>}, {transform_indices = @transform_2, window_bounds = array<i64: 512, 256>}, {pipeline_mode = #tpu.pipeline_mode<synchronous>, transform_indices = @transform_3, window_bounds = array<i64: 256, 8192>}, {transform_indices = @transform_4, window_bounds = array<i64: 512, 1>}, {transform_indices = @transform_5, window_bounds = array<i64: 512, 1>}, {pipeline_mode = #tpu.pipeline_mode<synchronous>, transform_indices = @transform_6, window_bounds = array<i64: 1, 1>}]} {
    %get3A = arith.constant 0 : index
    %get3A_0 = arith.constant 0 : index
    %get3A_1 = vector.load %arg3[%get3A, %get3A_0] : memref<512x256xbf16, #tpu.memory_space<vmem>>, vector<512x256xbf16>
    %get3A_2 = arith.constant 0 : index
    %get3A_3 = arith.constant 0 : index
    %get3A_4 = vector.load %arg1[%get3A_2, %get3A_3] : memref<512x1xf32, #tpu.memory_space<vmem>>, vector<512x1xf32>
    %broadcast_in_dim3A = arith.constant 0x7F800000 : f32
    %broadcast_in_dim3A_5 = vector.broadcast %broadcast_in_dim3A : f32 to vector<512x1xf32>
    %broadcast_in_dim3A_6 = arith.constant 8192 : i32
    %broadcast_in_dim3A_7 = vector.broadcast %broadcast_in_dim3A_6 : i32 to vector<512x1xi32>
    %get3A_8 = arith.constant 0 : index
    %get3A_9 = arith.constant 0 : index
    %get3A_10 = vector.load %arg4[%get3A_8, %get3A_9] : memref<256x8192xbf16, #tpu.memory_space<vmem>>, vector<256x1024xbf16>
    %dot_general3A = arith.constant dense<0.000000e+00> : vector<512x1024xf32>
    %dot_general3A_11 = tpu.matmul %get3A_1, %get3A_10, %dot_general3A {dimension_numbers = #tpu.dot_dimension_numbers<[1], [0], [0], [1], [0, 0, 1, 1], [], []>, transpose_lhs_hint = false} : vector<512x256xbf16>, vector<256x1024xbf16>, vector<512x1024xf32> -> vector<512x1024xf32>
    %get3A_12 = arith.constant 0 : index
    %get3A_13 = arith.constant 0 : index
    %get3A_14 = vector.load %arg2[%get3A_12, %get3A_13] : memref<1x8192xf32, #tpu.memory_space<vmem>>, vector<1x1024xf32>
    %add3A = vector.broadcast %get3A_4 : vector<512x1xf32> to vector<512x1024xf32>
    %add3A_15 = vector.broadcast %get3A_14 : vector<1x1024xf32> to vector<512x1024xf32>
    %add3A_16 = arith.addf %add3A, %add3A_15 : vector<512x1024xf32>
    %sub3A = arith.subf %add3A_16, %dot_general3A_11 : vector<512x1024xf32>
    %reduce_min3A = arith.constant dense<0x7F800000> : vector<512xf32>
    %reduce_min3A_17 = vector.multi_reduction <minimumf>, %sub3A, %reduce_min3A [1] : vector<512x1024xf32> to vector<512xf32>
    %broadcast_in_dim3A_18 = vector.shape_cast %reduce_min3A_17 : vector<512xf32> to vector<512x1xf32>
    %iota3A = tpu.iota {dimensions = array<i32: 1>} : vector<512x1024xi32>
    %add3A_19 = arith.constant 0 : i32
    %add3A_20 = vector.broadcast %add3A_19 : i32 to vector<512x1024xi32>
    %add3A_21 = arith.addi %iota3A, %add3A_20 : vector<512x1024xi32>
    %eq3A = vector.broadcast %broadcast_in_dim3A_18 : vector<512x1xf32> to vector<512x1024xf32>
    %eq3A_22 = arith.cmpf oeq, %sub3A, %eq3A : vector<512x1024xf32>
    %jit3A = arith.constant 8192 : i32
    %broadcast_in_dim3A_23 = vector.broadcast %jit3A : i32 to vector<512x1024xi32>
    %select_n3A = arith.select %eq3A_22, %add3A_21, %broadcast_in_dim3A_23 : vector<512x1024xi1>, vector<512x1024xi32>
    %reduce_min3A_24 = arith.constant dense<2147483647> : vector<512xi32>
    %reduce_min3A_25 = vector.multi_reduction <minsi>, %select_n3A, %reduce_min3A_24 [1] : vector<512x1024xi32> to vector<512xi32>
    %broadcast_in_dim3A_26 = vector.shape_cast %reduce_min3A_25 : vector<512xi32> to vector<512x1xi32>
    %lt3A = arith.cmpf olt, %broadcast_in_dim3A_18, %broadcast_in_dim3A_5 : vector<512x1xf32>
    %select_n3A_27 = arith.select %lt3A, %broadcast_in_dim3A_26, %broadcast_in_dim3A_7 : vector<512x1xi1>, vector<512x1xi32>
    %select_n3A_28 = arith.select %lt3A, %broadcast_in_dim3A_18, %broadcast_in_dim3A_5 : vector<512x1xi1>, vector<512x1xf32>
    %get3A_29 = arith.constant 0 : index
    %get3A_30 = arith.constant 1024 : index
    %get3A_31 = vector.load %arg4[%get3A_29, %get3A_30] : memref<256x8192xbf16, #tpu.memory_space<vmem>>, vector<256x1024xbf16>
    %dot_general3A_32 = arith.constant dense<0.000000e+00> : vector<512x1024xf32>
    %dot_general3A_33 = tpu.matmul %get3A_1, %get3A_31, %dot_general3A_32 {dimension_numbers = #tpu.dot_dimension_numbers<[1], [0], [0], [1], [0, 0, 1, 1], [], []>, transpose_lhs_hint = false} : vector<512x256xbf16>, vector<256x1024xbf16>, vector<512x1024xf32> -> vector<512x1024xf32>
    %get3A_34 = arith.constant 0 : index
    %get3A_35 = arith.constant 1024 : index
    %get3A_36 = vector.load %arg2[%get3A_34, %get3A_35] : memref<1x8192xf32, #tpu.memory_space<vmem>>, vector<1x1024xf32>
    %add3A_37 = vector.broadcast %get3A_4 : vector<512x1xf32> to vector<512x1024xf32>
    %add3A_38 = vector.broadcast %get3A_36 : vector<1x1024xf32> to vector<512x1024xf32>
    %add3A_39 = arith.addf %add3A_37, %add3A_38 : vector<512x1024xf32>
    %sub3A_40 = arith.subf %add3A_39, %dot_general3A_33 : vector<512x1024xf32>
    %reduce_min3A_41 = arith.constant dense<0x7F800000> : vector<512xf32>
    %reduce_min3A_42 = vector.multi_reduction <minimumf>, %sub3A_40, %reduce_min3A_41 [1] : vector<512x1024xf32> to vector<512xf32>
    %broadcast_in_dim3A_43 = vector.shape_cast %reduce_min3A_42 : vector<512xf32> to vector<512x1xf32>
    %iota3A_44 = tpu.iota {dimensions = array<i32: 1>} : vector<512x1024xi32>
    %add3A_45 = arith.constant 1024 : i32
    %add3A_46 = vector.broadcast %add3A_45 : i32 to vector<512x1024xi32>
    %add3A_47 = arith.addi %iota3A_44, %add3A_46 : vector<512x1024xi32>
    %eq3A_48 = vector.broadcast %broadcast_in_dim3A_43 : vector<512x1xf32> to vector<512x1024xf32>
    %eq3A_49 = arith.cmpf oeq, %sub3A_40, %eq3A_48 : vector<512x1024xf32>
    %jit3A_50 = arith.constant 8192 : i32
    %broadcast_in_dim3A_51 = vector.broadcast %jit3A_50 : i32 to vector<512x1024xi32>
    %select_n3A_52 = arith.select %eq3A_49, %add3A_47, %broadcast_in_dim3A_51 : vector<512x1024xi1>, vector<512x1024xi32>
    %reduce_min3A_53 = arith.constant dense<2147483647> : vector<512xi32>
    %reduce_min3A_54 = vector.multi_reduction <minsi>, %select_n3A_52, %reduce_min3A_53 [1] : vector<512x1024xi32> to vector<512xi32>
    %broadcast_in_dim3A_55 = vector.shape_cast %reduce_min3A_54 : vector<512xi32> to vector<512x1xi32>
    %lt3A_56 = arith.cmpf olt, %broadcast_in_dim3A_43, %select_n3A_28 : vector<512x1xf32>
    %select_n3A_57 = arith.select %lt3A_56, %broadcast_in_dim3A_55, %select_n3A_27 : vector<512x1xi1>, vector<512x1xi32>
    %select_n3A_58 = arith.select %lt3A_56, %broadcast_in_dim3A_43, %select_n3A_28 : vector<512x1xi1>, vector<512x1xf32>
    %get3A_59 = arith.constant 0 : index
    %get3A_60 = arith.constant 2048 : index
    %get3A_61 = vector.load %arg4[%get3A_59, %get3A_60] : memref<256x8192xbf16, #tpu.memory_space<vmem>>, vector<256x1024xbf16>
    %dot_general3A_62 = arith.constant dense<0.000000e+00> : vector<512x1024xf32>
    %dot_general3A_63 = tpu.matmul %get3A_1, %get3A_61, %dot_general3A_62 {dimension_numbers = #tpu.dot_dimension_numbers<[1], [0], [0], [1], [0, 0, 1, 1], [], []>, transpose_lhs_hint = false} : vector<512x256xbf16>, vector<256x1024xbf16>, vector<512x1024xf32> -> vector<512x1024xf32>
    %get3A_64 = arith.constant 0 : index
    %get3A_65 = arith.constant 2048 : index
    %get3A_66 = vector.load %arg2[%get3A_64, %get3A_65] : memref<1x8192xf32, #tpu.memory_space<vmem>>, vector<1x1024xf32>
    %add3A_67 = vector.broadcast %get3A_4 : vector<512x1xf32> to vector<512x1024xf32>
    %add3A_68 = vector.broadcast %get3A_66 : vector<1x1024xf32> to vector<512x1024xf32>
    %add3A_69 = arith.addf %add3A_67, %add3A_68 : vector<512x1024xf32>
    %sub3A_70 = arith.subf %add3A_69, %dot_general3A_63 : vector<512x1024xf32>
    %reduce_min3A_71 = arith.constant dense<0x7F800000> : vector<512xf32>
    %reduce_min3A_72 = vector.multi_reduction <minimumf>, %sub3A_70, %reduce_min3A_71 [1] : vector<512x1024xf32> to vector<512xf32>
    %broadcast_in_dim3A_73 = vector.shape_cast %reduce_min3A_72 : vector<512xf32> to vector<512x1xf32>
    %iota3A_74 = tpu.iota {dimensions = array<i32: 1>} : vector<512x1024xi32>
    %add3A_75 = arith.constant 2048 : i32
    %add3A_76 = vector.broadcast %add3A_75 : i32 to vector<512x1024xi32>
    %add3A_77 = arith.addi %iota3A_74, %add3A_76 : vector<512x1024xi32>
    %eq3A_78 = vector.broadcast %broadcast_in_dim3A_73 : vector<512x1xf32> to vector<512x1024xf32>
    %eq3A_79 = arith.cmpf oeq, %sub3A_70, %eq3A_78 : vector<512x1024xf32>
    %jit3A_80 = arith.constant 8192 : i32
    %broadcast_in_dim3A_81 = vector.broadcast %jit3A_80 : i32 to vector<512x1024xi32>
    %select_n3A_82 = arith.select %eq3A_79, %add3A_77, %broadcast_in_dim3A_81 : vector<512x1024xi1>, vector<512x1024xi32>
    %reduce_min3A_83 = arith.constant dense<2147483647> : vector<512xi32>
    %reduce_min3A_84 = vector.multi_reduction <minsi>, %select_n3A_82, %reduce_min3A_83 [1] : vector<512x1024xi32> to vector<512xi32>
    %broadcast_in_dim3A_85 = vector.shape_cast %reduce_min3A_84 : vector<512xi32> to vector<512x1xi32>
    %lt3A_86 = arith.cmpf olt, %broadcast_in_dim3A_73, %select_n3A_58 : vector<512x1xf32>
    %select_n3A_87 = arith.select %lt3A_86, %broadcast_in_dim3A_85, %select_n3A_57 : vector<512x1xi1>, vector<512x1xi32>
    %select_n3A_88 = arith.select %lt3A_86, %broadcast_in_dim3A_73, %select_n3A_58 : vector<512x1xi1>, vector<512x1xf32>
    %get3A_89 = arith.constant 0 : index
    %get3A_90 = arith.constant 3072 : index
    %get3A_91 = vector.load %arg4[%get3A_89, %get3A_90] : memref<256x8192xbf16, #tpu.memory_space<vmem>>, vector<256x1024xbf16>
    %dot_general3A_92 = arith.constant dense<0.000000e+00> : vector<512x1024xf32>
    %dot_general3A_93 = tpu.matmul %get3A_1, %get3A_91, %dot_general3A_92 {dimension_numbers = #tpu.dot_dimension_numbers<[1], [0], [0], [1], [0, 0, 1, 1], [], []>, transpose_lhs_hint = false} : vector<512x256xbf16>, vector<256x1024xbf16>, vector<512x1024xf32> -> vector<512x1024xf32>
    %get3A_94 = arith.constant 0 : index
    %get3A_95 = arith.constant 3072 : index
    %get3A_96 = vector.load %arg2[%get3A_94, %get3A_95] : memref<1x8192xf32, #tpu.memory_space<vmem>>, vector<1x1024xf32>
    %add3A_97 = vector.broadcast %get3A_4 : vector<512x1xf32> to vector<512x1024xf32>
    %add3A_98 = vector.broadcast %get3A_96 : vector<1x1024xf32> to vector<512x1024xf32>
    %add3A_99 = arith.addf %add3A_97, %add3A_98 : vector<512x1024xf32>
    %sub3A_100 = arith.subf %add3A_99, %dot_general3A_93 : vector<512x1024xf32>
    %reduce_min3A_101 = arith.constant dense<0x7F800000> : vector<512xf32>
    %reduce_min3A_102 = vector.multi_reduction <minimumf>, %sub3A_100, %reduce_min3A_101 [1] : vector<512x1024xf32> to vector<512xf32>
    %broadcast_in_dim3A_103 = vector.shape_cast %reduce_min3A_102 : vector<512xf32> to vector<512x1xf32>
    %iota3A_104 = tpu.iota {dimensions = array<i32: 1>} : vector<512x1024xi32>
    %add3A_105 = arith.constant 3072 : i32
    %add3A_106 = vector.broadcast %add3A_105 : i32 to vector<512x1024xi32>
    %add3A_107 = arith.addi %iota3A_104, %add3A_106 : vector<512x1024xi32>
    %eq3A_108 = vector.broadcast %broadcast_in_dim3A_103 : vector<512x1xf32> to vector<512x1024xf32>
    %eq3A_109 = arith.cmpf oeq, %sub3A_100, %eq3A_108 : vector<512x1024xf32>
    %jit3A_110 = arith.constant 8192 : i32
    %broadcast_in_dim3A_111 = vector.broadcast %jit3A_110 : i32 to vector<512x1024xi32>
    %select_n3A_112 = arith.select %eq3A_109, %add3A_107, %broadcast_in_dim3A_111 : vector<512x1024xi1>, vector<512x1024xi32>
    %reduce_min3A_113 = arith.constant dense<2147483647> : vector<512xi32>
    %reduce_min3A_114 = vector.multi_reduction <minsi>, %select_n3A_112, %reduce_min3A_113 [1] : vector<512x1024xi32> to vector<512xi32>
    %broadcast_in_dim3A_115 = vector.shape_cast %reduce_min3A_114 : vector<512xi32> to vector<512x1xi32>
    %lt3A_116 = arith.cmpf olt, %broadcast_in_dim3A_103, %select_n3A_88 : vector<512x1xf32>
    %select_n3A_117 = arith.select %lt3A_116, %broadcast_in_dim3A_115, %select_n3A_87 : vector<512x1xi1>, vector<512x1xi32>
    %select_n3A_118 = arith.select %lt3A_116, %broadcast_in_dim3A_103, %select_n3A_88 : vector<512x1xi1>, vector<512x1xf32>
    %get3A_119 = arith.constant 0 : index
    %get3A_120 = arith.constant 4096 : index
    %get3A_121 = vector.load %arg4[%get3A_119, %get3A_120] : memref<256x8192xbf16, #tpu.memory_space<vmem>>, vector<256x1024xbf16>
    %dot_general3A_122 = arith.constant dense<0.000000e+00> : vector<512x1024xf32>
    %dot_general3A_123 = tpu.matmul %get3A_1, %get3A_121, %dot_general3A_122 {dimension_numbers = #tpu.dot_dimension_numbers<[1], [0], [0], [1], [0, 0, 1, 1], [], []>, transpose_lhs_hint = false} : vector<512x256xbf16>, vector<256x1024xbf16>, vector<512x1024xf32> -> vector<512x1024xf32>
    %get3A_124 = arith.constant 0 : index
    %get3A_125 = arith.constant 4096 : index
    %get3A_126 = vector.load %arg2[%get3A_124, %get3A_125] : memref<1x8192xf32, #tpu.memory_space<vmem>>, vector<1x1024xf32>
    %add3A_127 = vector.broadcast %get3A_4 : vector<512x1xf32> to vector<512x1024xf32>
    %add3A_128 = vector.broadcast %get3A_126 : vector<1x1024xf32> to vector<512x1024xf32>
    %add3A_129 = arith.addf %add3A_127, %add3A_128 : vector<512x1024xf32>
    %sub3A_130 = arith.subf %add3A_129, %dot_general3A_123 : vector<512x1024xf32>
    %reduce_min3A_131 = arith.constant dense<0x7F800000> : vector<512xf32>
    %reduce_min3A_132 = vector.multi_reduction <minimumf>, %sub3A_130, %reduce_min3A_131 [1] : vector<512x1024xf32> to vector<512xf32>
    %broadcast_in_dim3A_133 = vector.shape_cast %reduce_min3A_132 : vector<512xf32> to vector<512x1xf32>
    %iota3A_134 = tpu.iota {dimensions = array<i32: 1>} : vector<512x1024xi32>
    %add3A_135 = arith.constant 4096 : i32
    %add3A_136 = vector.broadcast %add3A_135 : i32 to vector<512x1024xi32>
    %add3A_137 = arith.addi %iota3A_134, %add3A_136 : vector<512x1024xi32>
    %eq3A_138 = vector.broadcast %broadcast_in_dim3A_133 : vector<512x1xf32> to vector<512x1024xf32>
    %eq3A_139 = arith.cmpf oeq, %sub3A_130, %eq3A_138 : vector<512x1024xf32>
    %jit3A_140 = arith.constant 8192 : i32
    %broadcast_in_dim3A_141 = vector.broadcast %jit3A_140 : i32 to vector<512x1024xi32>
    %select_n3A_142 = arith.select %eq3A_139, %add3A_137, %broadcast_in_dim3A_141 : vector<512x1024xi1>, vector<512x1024xi32>
    %reduce_min3A_143 = arith.constant dense<2147483647> : vector<512xi32>
    %reduce_min3A_144 = vector.multi_reduction <minsi>, %select_n3A_142, %reduce_min3A_143 [1] : vector<512x1024xi32> to vector<512xi32>
    %broadcast_in_dim3A_145 = vector.shape_cast %reduce_min3A_144 : vector<512xi32> to vector<512x1xi32>
    %lt3A_146 = arith.cmpf olt, %broadcast_in_dim3A_133, %select_n3A_118 : vector<512x1xf32>
    %select_n3A_147 = arith.select %lt3A_146, %broadcast_in_dim3A_145, %select_n3A_117 : vector<512x1xi1>, vector<512x1xi32>
    %select_n3A_148 = arith.select %lt3A_146, %broadcast_in_dim3A_133, %select_n3A_118 : vector<512x1xi1>, vector<512x1xf32>
    %get3A_149 = arith.constant 0 : index
    %get3A_150 = arith.constant 5120 : index
    %get3A_151 = vector.load %arg4[%get3A_149, %get3A_150] : memref<256x8192xbf16, #tpu.memory_space<vmem>>, vector<256x1024xbf16>
    %dot_general3A_152 = arith.constant dense<0.000000e+00> : vector<512x1024xf32>
    %dot_general3A_153 = tpu.matmul %get3A_1, %get3A_151, %dot_general3A_152 {dimension_numbers = #tpu.dot_dimension_numbers<[1], [0], [0], [1], [0, 0, 1, 1], [], []>, transpose_lhs_hint = false} : vector<512x256xbf16>, vector<256x1024xbf16>, vector<512x1024xf32> -> vector<512x1024xf32>
    %get3A_154 = arith.constant 0 : index
    %get3A_155 = arith.constant 5120 : index
    %get3A_156 = vector.load %arg2[%get3A_154, %get3A_155] : memref<1x8192xf32, #tpu.memory_space<vmem>>, vector<1x1024xf32>
    %add3A_157 = vector.broadcast %get3A_4 : vector<512x1xf32> to vector<512x1024xf32>
    %add3A_158 = vector.broadcast %get3A_156 : vector<1x1024xf32> to vector<512x1024xf32>
    %add3A_159 = arith.addf %add3A_157, %add3A_158 : vector<512x1024xf32>
    %sub3A_160 = arith.subf %add3A_159, %dot_general3A_153 : vector<512x1024xf32>
    %reduce_min3A_161 = arith.constant dense<0x7F800000> : vector<512xf32>
    %reduce_min3A_162 = vector.multi_reduction <minimumf>, %sub3A_160, %reduce_min3A_161 [1] : vector<512x1024xf32> to vector<512xf32>
    %broadcast_in_dim3A_163 = vector.shape_cast %reduce_min3A_162 : vector<512xf32> to vector<512x1xf32>
    %iota3A_164 = tpu.iota {dimensions = array<i32: 1>} : vector<512x1024xi32>
    %add3A_165 = arith.constant 5120 : i32
    %add3A_166 = vector.broadcast %add3A_165 : i32 to vector<512x1024xi32>
    %add3A_167 = arith.addi %iota3A_164, %add3A_166 : vector<512x1024xi32>
    %eq3A_168 = vector.broadcast %broadcast_in_dim3A_163 : vector<512x1xf32> to vector<512x1024xf32>
    %eq3A_169 = arith.cmpf oeq, %sub3A_160, %eq3A_168 : vector<512x1024xf32>
    %jit3A_170 = arith.constant 8192 : i32
    %broadcast_in_dim3A_171 = vector.broadcast %jit3A_170 : i32 to vector<512x1024xi32>
    %select_n3A_172 = arith.select %eq3A_169, %add3A_167, %broadcast_in_dim3A_171 : vector<512x1024xi1>, vector<512x1024xi32>
    %reduce_min3A_173 = arith.constant dense<2147483647> : vector<512xi32>
    %reduce_min3A_174 = vector.multi_reduction <minsi>, %select_n3A_172, %reduce_min3A_173 [1] : vector<512x1024xi32> to vector<512xi32>
    %broadcast_in_dim3A_175 = vector.shape_cast %reduce_min3A_174 : vector<512xi32> to vector<512x1xi32>
    %lt3A_176 = arith.cmpf olt, %broadcast_in_dim3A_163, %select_n3A_148 : vector<512x1xf32>
    %select_n3A_177 = arith.select %lt3A_176, %broadcast_in_dim3A_175, %select_n3A_147 : vector<512x1xi1>, vector<512x1xi32>
    %select_n3A_178 = arith.select %lt3A_176, %broadcast_in_dim3A_163, %select_n3A_148 : vector<512x1xi1>, vector<512x1xf32>
    %get3A_179 = arith.constant 0 : index
    %get3A_180 = arith.constant 6144 : index
    %get3A_181 = vector.load %arg4[%get3A_179, %get3A_180] : memref<256x8192xbf16, #tpu.memory_space<vmem>>, vector<256x1024xbf16>
    %dot_general3A_182 = arith.constant dense<0.000000e+00> : vector<512x1024xf32>
    %dot_general3A_183 = tpu.matmul %get3A_1, %get3A_181, %dot_general3A_182 {dimension_numbers = #tpu.dot_dimension_numbers<[1], [0], [0], [1], [0, 0, 1, 1], [], []>, transpose_lhs_hint = false} : vector<512x256xbf16>, vector<256x1024xbf16>, vector<512x1024xf32> -> vector<512x1024xf32>
    %get3A_184 = arith.constant 0 : index
    %get3A_185 = arith.constant 6144 : index
    %get3A_186 = vector.load %arg2[%get3A_184, %get3A_185] : memref<1x8192xf32, #tpu.memory_space<vmem>>, vector<1x1024xf32>
    %add3A_187 = vector.broadcast %get3A_4 : vector<512x1xf32> to vector<512x1024xf32>
    %add3A_188 = vector.broadcast %get3A_186 : vector<1x1024xf32> to vector<512x1024xf32>
    %add3A_189 = arith.addf %add3A_187, %add3A_188 : vector<512x1024xf32>
    %sub3A_190 = arith.subf %add3A_189, %dot_general3A_183 : vector<512x1024xf32>
    %reduce_min3A_191 = arith.constant dense<0x7F800000> : vector<512xf32>
    %reduce_min3A_192 = vector.multi_reduction <minimumf>, %sub3A_190, %reduce_min3A_191 [1] : vector<512x1024xf32> to vector<512xf32>
    %broadcast_in_dim3A_193 = vector.shape_cast %reduce_min3A_192 : vector<512xf32> to vector<512x1xf32>
    %iota3A_194 = tpu.iota {dimensions = array<i32: 1>} : vector<512x1024xi32>
    %add3A_195 = arith.constant 6144 : i32
    %add3A_196 = vector.broadcast %add3A_195 : i32 to vector<512x1024xi32>
    %add3A_197 = arith.addi %iota3A_194, %add3A_196 : vector<512x1024xi32>
    %eq3A_198 = vector.broadcast %broadcast_in_dim3A_193 : vector<512x1xf32> to vector<512x1024xf32>
    %eq3A_199 = arith.cmpf oeq, %sub3A_190, %eq3A_198 : vector<512x1024xf32>
    %jit3A_200 = arith.constant 8192 : i32
    %broadcast_in_dim3A_201 = vector.broadcast %jit3A_200 : i32 to vector<512x1024xi32>
    %select_n3A_202 = arith.select %eq3A_199, %add3A_197, %broadcast_in_dim3A_201 : vector<512x1024xi1>, vector<512x1024xi32>
    %reduce_min3A_203 = arith.constant dense<2147483647> : vector<512xi32>
    %reduce_min3A_204 = vector.multi_reduction <minsi>, %select_n3A_202, %reduce_min3A_203 [1] : vector<512x1024xi32> to vector<512xi32>
    %broadcast_in_dim3A_205 = vector.shape_cast %reduce_min3A_204 : vector<512xi32> to vector<512x1xi32>
    %lt3A_206 = arith.cmpf olt, %broadcast_in_dim3A_193, %select_n3A_178 : vector<512x1xf32>
    %select_n3A_207 = arith.select %lt3A_206, %broadcast_in_dim3A_205, %select_n3A_177 : vector<512x1xi1>, vector<512x1xi32>
    %select_n3A_208 = arith.select %lt3A_206, %broadcast_in_dim3A_193, %select_n3A_178 : vector<512x1xi1>, vector<512x1xf32>
    %get3A_209 = arith.constant 0 : index
    %get3A_210 = arith.constant 7168 : index
    %get3A_211 = vector.load %arg4[%get3A_209, %get3A_210] : memref<256x8192xbf16, #tpu.memory_space<vmem>>, vector<256x1024xbf16>
    %dot_general3A_212 = arith.constant dense<0.000000e+00> : vector<512x1024xf32>
    %dot_general3A_213 = tpu.matmul %get3A_1, %get3A_211, %dot_general3A_212 {dimension_numbers = #tpu.dot_dimension_numbers<[1], [0], [0], [1], [0, 0, 1, 1], [], []>, transpose_lhs_hint = false} : vector<512x256xbf16>, vector<256x1024xbf16>, vector<512x1024xf32> -> vector<512x1024xf32>
    %get3A_214 = arith.constant 0 : index
    %get3A_215 = arith.constant 7168 : index
    %get3A_216 = vector.load %arg2[%get3A_214, %get3A_215] : memref<1x8192xf32, #tpu.memory_space<vmem>>, vector<1x1024xf32>
    %add3A_217 = vector.broadcast %get3A_4 : vector<512x1xf32> to vector<512x1024xf32>
    %add3A_218 = vector.broadcast %get3A_216 : vector<1x1024xf32> to vector<512x1024xf32>
    %add3A_219 = arith.addf %add3A_217, %add3A_218 : vector<512x1024xf32>
    %sub3A_220 = arith.subf %add3A_219, %dot_general3A_213 : vector<512x1024xf32>
    %reduce_min3A_221 = arith.constant dense<0x7F800000> : vector<512xf32>
    %reduce_min3A_222 = vector.multi_reduction <minimumf>, %sub3A_220, %reduce_min3A_221 [1] : vector<512x1024xf32> to vector<512xf32>
    %broadcast_in_dim3A_223 = vector.shape_cast %reduce_min3A_222 : vector<512xf32> to vector<512x1xf32>
    %iota3A_224 = tpu.iota {dimensions = array<i32: 1>} : vector<512x1024xi32>
    %add3A_225 = arith.constant 7168 : i32
    %add3A_226 = vector.broadcast %add3A_225 : i32 to vector<512x1024xi32>
    %add3A_227 = arith.addi %iota3A_224, %add3A_226 : vector<512x1024xi32>
    %eq3A_228 = vector.broadcast %broadcast_in_dim3A_223 : vector<512x1xf32> to vector<512x1024xf32>
    %eq3A_229 = arith.cmpf oeq, %sub3A_220, %eq3A_228 : vector<512x1024xf32>
    %jit3A_230 = arith.constant 8192 : i32
    %broadcast_in_dim3A_231 = vector.broadcast %jit3A_230 : i32 to vector<512x1024xi32>
    %select_n3A_232 = arith.select %eq3A_229, %add3A_227, %broadcast_in_dim3A_231 : vector<512x1024xi1>, vector<512x1024xi32>
    %reduce_min3A_233 = arith.constant dense<2147483647> : vector<512xi32>
    %reduce_min3A_234 = vector.multi_reduction <minsi>, %select_n3A_232, %reduce_min3A_233 [1] : vector<512x1024xi32> to vector<512xi32>
    %broadcast_in_dim3A_235 = vector.shape_cast %reduce_min3A_234 : vector<512xi32> to vector<512x1xi32>
    %lt3A_236 = arith.cmpf olt, %broadcast_in_dim3A_223, %select_n3A_208 : vector<512x1xf32>
    %select_n3A_237 = arith.select %lt3A_236, %broadcast_in_dim3A_235, %select_n3A_207 : vector<512x1xi1>, vector<512x1xi32>
    %select_n3A_238 = arith.select %lt3A_236, %broadcast_in_dim3A_223, %select_n3A_208 : vector<512x1xi1>, vector<512x1xf32>
    %swap3A = arith.constant 0 : index
    %swap3A_239 = arith.constant 0 : index
    %swap3A_240 = vector.load %arg5[%swap3A, %swap3A_239] : memref<512x1xi32, #tpu.memory_space<vmem>>, vector<512x1xi32>
    tpu.vector_store %arg5[%swap3A, %swap3A_239], %select_n3A_237 {strides = array<i32>} : memref<512x1xi32, #tpu.memory_space<vmem>>, vector<512x1xi32>,
    %swap3A_241 = arith.constant 0 : index
    %swap3A_242 = arith.constant 0 : index
    %swap3A_243 = vector.load %arg6[%swap3A_241, %swap3A_242] : memref<512x1xf32, #tpu.memory_space<vmem>>, vector<512x1xf32>
    tpu.vector_store %arg6[%swap3A_241, %swap3A_242], %select_n3A_238 {strides = array<i32>} : memref<512x1xf32, #tpu.memory_space<vmem>>, vector<512x1xf32>,
    %eq3A_244 = arith.constant 0 : i32
    %eq3A_245 = arith.cmpi eq, %arg0, %eq3A_244 : i32
    %convert_element_type3A = arith.extui %eq3A_245 : i1 to i32
    %cond3A = arith.constant 0 : i32
    %cond3A_246 = arith.cmpi ne, %convert_element_type3A, %cond3A : i32
    scf.if %cond3A_246 {
      %broadcast_in_dim3A_261 = arith.constant 0.000000e+00 : f32
      %broadcast_in_dim3A_262 = vector.broadcast %broadcast_in_dim3A_261 : f32 to vector<1x1xf32>
      %swap3A_263 = arith.constant 0 : index
      %swap3A_264 = arith.constant 0 : index
      %swap3A_265 = vector.load %arg7[%swap3A_263, %swap3A_264] : memref<1x1xf32, #tpu.memory_space<vmem>>, vector<1x1xf32>
      tpu.vector_store %arg7[%swap3A_263, %swap3A_264], %broadcast_in_dim3A_262 {strides = array<i32>} : memref<1x1xf32, #tpu.memory_space<vmem>>, vector<1x1xf32>,
    } else {
    }
    %get3A_247 = arith.constant 0 : index
    %get3A_248 = arith.constant 0 : index
    %get3A_249 = vector.load %arg7[%get3A_247, %get3A_248] : memref<1x1xf32, #tpu.memory_space<vmem>>, vector<1x1xf32>
    %get3A_250 = arith.constant 0 : index
    %get3A_251 = arith.constant 0 : index
    %get3A_252 = vector.load %arg6[%get3A_250, %get3A_251] : memref<512x1xf32, #tpu.memory_space<vmem>>, vector<512x1xf32>
    %reduce_sum3A = vector.shape_cast %get3A_252 : vector<512x1xf32> to vector<1x512x1xf32>
    %reduce_sum3A_253 = arith.constant dense<0.000000e+00> : vector<1xf32>
    %reduce_sum3A_254 = vector.multi_reduction <add>, %reduce_sum3A, %reduce_sum3A_253 [1, 2] : vector<1x512x1xf32> to vector<1xf32>
    %reduce_sum3A_255 = vector.shape_cast %reduce_sum3A_254 : vector<1xf32> to vector<1x1x1xf32>
    %reduce_sum3A_256 = vector.extract %reduce_sum3A_255[0, 0, 0] : f32 from vector<1x1x1xf32>
    %reshape3A = vector.broadcast %reduce_sum3A_256 : f32 to vector<1x1xf32>
    %add3A_257 = arith.addf %get3A_249, %reshape3A : vector<1x1xf32>
    %swap3A_258 = arith.constant 0 : index
    %swap3A_259 = arith.constant 0 : index
    %swap3A_260 = vector.load %arg7[%swap3A_258, %swap3A_259] : memref<1x1xf32, #tpu.memory_space<vmem>>, vector<1x1xf32>
    tpu.vector_store %arg7[%swap3A_258, %swap3A_259], %add3A_257 {strides = array<i32>} : memref<1x1xf32, #tpu.memory_space<vmem>>, vector<1x1xf32>,
    return
  }
  func.func @transform_0(%arg0: i32) -> (i32, i32) {
    %c0_i32 = arith.constant 0 : i32
    %c0_i32_0 = arith.constant 0 : i32
    return %arg0, %c0_i32 : i32, i32
  }
  func.func @transform_1(%arg0: i32) -> (i32, i32) {
    %c0_i32 = arith.constant 0 : i32
    %c0_i32_0 = arith.constant 0 : i32
    %c0_i32_1 = arith.constant 0 : i32
    return %c0_i32, %c0_i32_0 : i32, i32
  }
  func.func @transform_2(%arg0: i32) -> (i32, i32) {
    %c0_i32 = arith.constant 0 : i32
    %c0_i32_0 = arith.constant 0 : i32
    return %arg0, %c0_i32 : i32, i32
  }
  func.func @transform_3(%arg0: i32) -> (i32, i32) {
    %c0_i32 = arith.constant 0 : i32
    %c0_i32_0 = arith.constant 0 : i32
    %c0_i32_1 = arith.constant 0 : i32
    return %c0_i32, %c0_i32_0 : i32, i32
  }
  func.func @transform_4(%arg0: i32) -> (i32, i32) {
    %c0_i32 = arith.constant 0 : i32
    %c0_i32_0 = arith.constant 0 : i32
    return %arg0, %c0_i32 : i32, i32
  }
  func.func @transform_5(%arg0: i32) -> (i32, i32) {
    %c0_i32 = arith.constant 0 : i32
    %c0_i32_0 = arith.constant 0 : i32
    return %arg0, %c0_i32 : i32, i32
  }
  func.func @transform_6(%arg0: i32) -> (i32, i32) {
    %c0_i32 = arith.constant 0 : i32
    %c0_i32_0 = arith.constant 0 : i32
    %c0_i32_1 = arith.constant 0 : i32
    return %c0_i32, %c0_i32_0 : i32, i32
  }
}

</mosaic_0001>

<sc_bundles>
// kernel: kernel.4.cloned.1.call-start
scs
__scs_entry_jumppad:
0x0: {  	(pc) =	sbr.rel $0x88, $3  }
0x1: {  	(tag) =	ssettag $0x0;
	lr =	simm.s32 $0x1  }
0x2: {  	[smem:$0x3F9F] =	sst lr;
	_ =	strace $0xD0000000  }
0x3: {  	_ = 	snop  }
0x4: {  	_ = 	snop  }
0x5: {  	_ = 	snop  }
0x6: {  	_ = 	snop  }
0x7: {  	_ = 	snop  }
__scs_overlays_trampoline_lowered:
0x8: {  	[smem:$0x3FAE] =	sst s0  }
0x9: {  	[smem:$0x3FAF] =	sst s1  }
0xa: {  	[smem:$0x3FB0] =	sst s2  }
0xb: {  	[smem:$0x3FB1] =	sst s3  }
0xc: {  	[smem:$0x3FB2] =	sst s4  }
0xd: {  	[smem:$0x3FB3] =	sst s5  }
0xe: {  	[smem:$0x3FB4] =	sst s6  }
0xf: {  	[smem:$0x3FB5] =	sst s7  }
0x10: {  	[smem:$0x3FB6] =	sst s8  }
0x11: {  	[smem:$0x3FB7] =	sst s9;
	s0 =	simm.s32 @!p0 $0x0  }
0x12: {  	s1 =	sld [smem:$0x3F9D];
	s0 =	simm.s32 @p0 $0x1  }
0x13: {  	[smem:$0x3FB8] =	sst s0;
	s0 =	simm.s32 @!p1 $0x0  }
0x14: {  	s2 =	sld [smem:$0x3F9C];
	s0 =	simm.s32 @p1 $0x1  }
0x15: {  	[smem:$0x3FB9] =	sst s0;
	s0 =	simm.s32 @!p2 $0x0  }
0x16: {  	s3 =	sld [smem:$0x3FDB];
	s0 =	simm.s32 @p2 $0x1  }
0x17: {  	s4 =	simm.s32 $0x1BF5;
	[smem:$0x3FBB] =	sst s0  }
0x18: {  	s0 =	sld [smem:$0x3F9E];
	_ =	swait.ge [sflag:s4], $0x0  }
0x19: {  	s7 =	sld [smem:$0x3F9F]  }
0x1a: {  	s8 =	sadd.s32 $0xFFFFE003, lr  }
0x1b: {  	s9 =	sadd.s32 $0xFFFFFEF7, lr;
	s5 =	simm.s32 $0xFFFFFFFF;
	p2 =	slt.u32 s8, $0xFFFFF086  }
0x1c: {  	p1 =	slt.u32 s9, $0xF7A;
	s5 =	simm.s32 @!p2 $0x0  }
0x1d: {  	s5 =	simm.s32 @p1 $0x1;
	p0 =	seq.s32 s7, s2  }
0x1e: {  	s7 =	smul.u32 @!p0 $0xF7A, s2;
	p2 =	seq.s32 @!p0 s5, $0x0  }
0x1f: {  	s9 =	smul.u32 $0xF7A, s1;
	s8 =	simm.s32 @!p0 $0x1BF5;
	p2 =	por !p2, p0  }
0x20: {  	[sflag:s8] =	ssyncset.s32 @!p0 $0xFFFFF086;
	s6 =	sadd.s32 @!p0 s3, s7;
	s7 =	simm.s32 @!p0 $0x108  }
0x21: {  	s3 =	sadd.s32 s3, s9;
	s6 =	sadd.s32 @!p0 $0x88, s6;
	s7 =	simm.s32 @p2 $0x1082  }
0x22: {  	[simem:s7], [sflag:s8] =	dma.local @!p0 [hbm:s6], $0xF7A  }
0x23: {  	s9 =	sor.u32 $0xD0000000, s2;
	s6 =	simm.s32 $0x108;
	_ =	swait.ge @!p0 [sflag:s8], $0x0  }
0x24: {  	s3 =	sadd.s32 $0x88, s3;
	s6 =	simm.s32 @!p1 $0x1082;
	[sflag:s4] =	ssyncset.s32 $0xFFFFF086  }
0x25: {  	[simem:s6], [sflag:s4] =	dma.local [hbm:s3], $0xF7A  }
0x26: {  	[smem:$0x3F9F] =	sst s1;
	(tag) =	ssettag s2;
	_ =	strace s9  }
0x27: {  	s1 =	sld [smem:$0x3FAF]  }
0x28: {  	s2 =	sld [smem:$0x3FB0]  }
0x29: {  	s4 =	sld [smem:$0x3FB2]  }
0x2a: {  	p0 =	seq.s32 s5, $0x0;
	s5 =	sld [smem:$0x3FB3]  }
0x2b: {  	s6 =	sld [smem:$0x3FB4]  }
0x2c: {  	s7 =	sld [smem:$0x3FB5]  }
0x2d: {  	s3 =	simm.s32 $0x108;
	s8 =	sld [smem:$0x3FB6]  }
0x2e: {  	s3 =	simm.s32 @!p0 $0x1082;
	s9 =	sld [smem:$0x3FB7]  }
0x2f: {  	lr =	sadd.s32 s0, s3;
	s0 =	sld [smem:$0x3FAE]  }
0x30: {  	s3 =	sld [smem:$0x3FB1]  }
0x31: {  	[smem:$0x3FBA] =	sst s10  }
0x32: {  	s10 =	sld [smem:$0x3FB8];
	_ =	sdelay $0x3  }
0x33: {  	p0 =	seq.s32 s10, $0x1;
	s10 =	sld [smem:$0x3FBA];
	_ =	sdelay $0x3  }
0x34: {  	[smem:$0x3FBA] =	sst s10  }
0x35: {  	s10 =	sld [smem:$0x3FB9];
	_ =	sdelay $0x3  }
0x36: {  	p1 =	seq.s32 s10, $0x1;
	s10 =	sld [smem:$0x3FBA];
	_ =	sdelay $0x3  }
0x37: {  	[smem:$0x3FBA] =	sst s10  }
0x38: {  	s10 =	sld [smem:$0x3FBB]  }
0x39: {  	_ = 	snop;
	(pc) =	sbr.ind lr, $3  }
0x3a: {  	_ = 	snop  }
0x3b: {  	_ = 	snop  }
0x3c: {  	p2 =	seq.s32 s10, $0x1;
	s10 =	sld [smem:$0x3FBA]  }
0x3d: {  	_ =	shalt  }
0x3e: {  	_ =	shalt  }
0x3f: {  	_ =	shalt  }
0x40: {  	_ =	shalt  }
0x41: {  	_ =	shalt  }
0x42: {  	_ =	shalt  }
0x43: {  	_ =	shalt  }
0x44: {  	_ =	shalt  }
0x45: {  	_ =	shalt  }
0x46: {  	_ =	shalt  }
0x47: {  	_ =	shalt  }
0x48: {  	_ =	shalt  }
0x49: {  	_ =	shalt  }
0x4a: {  	_ =	shalt  }
0x4b: {  	_ =	shalt  }
0x4c: {  	_ =	shalt  }
0x4d: {  	_ =	shalt  }
0x4e: {  	_ =	shalt  }
0x4f: {  	_ =	shalt  }
0x50: {  	_ =	shalt  }
0x51: {  	_ =	shalt  }
0x52: {  	_ =	shalt  }
0x53: {  	_ =	shalt  }
0x54: {  	_ =	shalt  }
0x55: {  	_ =	shalt  }
0x56: {  	_ =	shalt  }
0x57: {  	_ =	shalt  }
0x58: {  	_ =	shalt  }
0x59: {  	_ =	shalt  }
0x5a: {  	_ =	shalt  }
0x5b: {  	_ =	shalt  }
0x5c: {  	_ =	shalt  }
0x5d: {  	_ =	shalt  }
0x5e: {  	_ =	shalt  }
0x5f: {  	_ =	shalt  }
0x60: {  	_ =	shalt  }
0x61: {  	_ =	shalt  }
0x62: {  	_ =	shalt  }
0x63: {  	_ =	shalt  }
0x64: {  	_ =	shalt  }
0x65: {  	_ =	shalt  }
0x66: {  	_ =	shalt  }
0x67: {  	_ =	shalt  }
0x68: {  	_ =	shalt  }
0x69: {  	_ =	shalt  }
0x6a: {  	_ =	shalt  }
0x6b: {  	_ =	shalt  }
0x6c: {  	_ =	shalt  }
0x6d: {  	_ =	shalt  }
0x6e: {  	_ =	shalt  }
0x6f: {  	_ =	shalt  }
0x70: {  	_ =	shalt  }
0x71: {  	_ =	shalt  }
0x72: {  	_ =	shalt  }
0x73: {  	_ =	shalt  }
0x74: {  	_ =	shalt  }
0x75: {  	_ =	shalt  }
0x76: {  	_ =	shalt  }
0x77: {  	_ =	shalt  }
0x78: {  	_ =	shalt  }
0x79: {  	_ =	shalt  }
0x7a: {  	_ =	shalt  }
0x7b: {  	_ =	shalt  }
0x7c: {  	_ =	shalt  }
0x7d: {  	_ =	shalt  }
0x7e: {  	_ =	shalt  }
0x7f: {  	_ =	shalt  }
0x80: {  	_ =	shalt  }
0x81: {  	_ =	shalt  }
0x82: {  	_ =	shalt  }
0x83: {  	_ =	shalt  }
0x84: {  	_ =	shalt  }
0x85: {  	_ =	shalt  }
0x86: {  	_ =	shalt  }
0x87: {  	_ =	shalt  }
.Lfunc_end0:
.L_simem_size_0:
called_computation_lowered:
.L_overlay_start_0:
0x88: {  	s2 =	sld [smem:$0x3FD9]  }
0x89: {  	s3 =	sld [smem:$0x3FFE];
	_ =	sdelay $0x1  }
0x8a: {  	s1 =	srdreg.scid  }
0x8b: {  	s0 =	sand.u32 $0x1, s1  }
0x8c: {  	s14 =	sshll.u32 s0, $0xA;
	s2 =	sadd.s32 s3, s2  }
0x8d: {  	s2 =	sadd.s32 s2, s14  }
0x8e: {  	[smem:$0x3FC6] =	sst s2  }
0x8f: {  	_ = 	snop  }
0x90: {  	s2 =	sld [smem:$0x3FD0];
	_ =	sdelay $0x2  }
0x91: {  	s4 =	simm.s32 $0xA;
	s5 =	simm.s32 $0x10;
	s15 =	sld [smem:$0x3FC8]  }
0x92: {  	[smem:s5], [sflag:s4] =	dma.local [hbm:s2], $0x1  }
0x93: {  	_ =	swait.eq [sflag:s4], $0x1  }
0x94: {  	[sflag:s4] =	ssyncset.done $0x0  }
0x95: {  	[sflag:s4] =	ssyncadd.s32 $0xFFFFFFFF  }
0x96: {  	s16 =	sld [smem:$0x10];
	(tm) =	ssettm $0x1  }
0x97: {  	s17 =	sld [smem:$0x3FFB];
	_ =	sdelay $0x3  }
0x98: {  	_ =	strace s17  }
0x99: {  	s4 =	sld [smem:$0x3FFC];
	_ =	sdelay $0x3  }
0x9a: {  	_ =	strace s4  }
0x9b: {  	s4 =	sld [smem:$0x3FFD];
	_ =	sdelay $0x3  }
0x9c: {  	_ =	strace s4  }
0x9d: {  	_ =	strace $0x8FFFFFFF  }
0x9e: {  	s18 =	sld [smem:$0x3FDB];
	_ =	sdelay $0x1  }
0x9f: {  	s19 =	simm.s32 $_scs_section_size  }
0xa0: {  	s6 =	simm.s32 $_size__tile_overlayer_lowered;
	s7 =	simm.s32 $_tile_overlayer_lowered  }
0xa1: {  	s22 =	simm.s32 $0x1BFF;
	s21 =	sshll.u32 s7, $0x1;
	s4 =	sadd.s32 s19, s18  }
0xa2: {  	s8 =	simm.s32 $0x0;
	s20 =	sshll.u32 s6, $0x1;
	s6 =	sadd.s32 s21, s4  }
0xa3: {  	[timem:s8], [sflag:s22] =	dma.local [hbm:s6], s20  }
0xa4: {  	_ =	swait.ge [sflag:s22], s20  }
0xa5: {  	s5 =	ssub.s32 $0x0, s20;
	[sflag:s22] =	ssyncset.done $0x0  }
0xa6: {  	[sflag:s22] =	ssyncadd.s32 s5;
	_ =	sdelay $0x1  }
0xa7: {  	s23 =	simm.s32 $0x1B8B  }
0xa8: {  	_ =	swait.ge [sflag:s23], $0x1  }
0xa9: {  	[sflag:s23] =	ssyncset.done $0x0  }
0xaa: {  	s25 =	simm.s32 $0x1B8E;
	s24 =	sld [smem:$0x3FFE];
	[sflag:s23] =	ssyncadd.s32 $0xFFFFFFFF  }
0xab: {  	s26 =	simm.s32 $execute0_lowered;
	[smem:$0x3FD2] =	sst s25  }
0xac: {  	s6 =	sshll.u32 s26, $0x1;
	_ =	strace $0x80000046;
	[dreg:$0x1] =	wrdreg $0xFFFFFFFF  }
0xad: {  	s28 =	simm.s32 $_size_execute0_lowered;
	s4 =	sadd.s32 s4, s6;
	[dreg:$0x0] =	wrdreg $0x0  }
0xae: {  	s6 =	sshll.u32 s28, $0x1;
	[dreg:$0x2] =	wrdreg s4  }
0xaf: {  	[dreg:$0x3] =	wrdreg s6  }
0xb0: {  	[dreg:$0x4] =	wrdreg $0xC0  }
0xb1: {  	_ =	task [dreg:s8], $0x5FFFF  }
0xb2: {  	[dreg:$0x1] =	wrdreg $0xFFFFFFFF  }
0xb3: {  	[dreg:$0x0] =	wrdreg $0x60  }
0xb4: {  	[dreg:$0x2] =	wrdreg s15  }
0xb5: {  	[dreg:$0x3] =	wrdreg s24  }
0xb6: {  	[dreg:$0x4] =	wrdreg s16  }
0xb7: {  	[dreg:$0x5] =	wrdreg $0x9  }
0xb8: {  	_ =	task.clear_ibuf [dreg:s8], $0x6FFFF;
	_ =	strace $0x90000046  }
0xb9: {  	s29 =	simm.s32 $0x9;
	_ =	strace $0x80000048  }
0xba: {  	_ =	swait.ge [sflag:s29], $0x1  }
0xbb: {  	[sflag:s29] =	ssyncadd.s32 $0xFFFFFFFF  }
0xbc: {  	_ =	strace $0x90000048  }
0xbd: {  	_ =	sfence  }
0xbe: {  	s30 =	sld [smem:$0x0];
	_ =	sdelay $0x2  }
0xbf: {  	s31 =	sshll.u32 s1, $0xD;
	s1 =	sshrl.u32 s1, $0x2  }
0xc0: {  	s3 =	sand.u32 $0x4000, s31;
	s1 =	sadd.s32 s1, s30  }
0xc1: {  	s0 =	sor.u32 s3, s0;
	s1 =	sshll.u32 s1, $0x11  }
0xc2: {  	s0 =	sor.u32 s1, s0  }
0xc3: {  	s0 =	sadd.s32 $0x8F2B, s0  }
0xc4: {  	[sflag:s0] =	ssyncadd.remote.s32 $0x1  }
0xc5: {  	_ =	sfence.sel $0xFFFF  }
0xc6: {  	[dreg:$0x0] =	wrdreg $0xFFFFFFFF;
	(pc) =	sbr.abs _section_cstart, $3  }
0xc7: {  	[dreg:$0x1] =	wrdreg $0xFFFFFFFF  }
0xc8: {  	_ =	task.clear_ibuf [dreg:s8], $0x2FFFF;
	_ =	strace $0x9FFFFFFF  }
0xc9: {  	(tm) =	ssettm $0x7FFFFFFF  }
tec
execute0_lowered:
.L_overlay_start_1:
0x0: {  	(tag) =	ssettag $0x1  }
0x1: {  	s2 =	srdreg.scid;
	s1 =	rddreg [dreg:$0x0]  }
0x2: {  	s0 =	stileid.u32;
	s4 =	rddreg [dreg:$0x1]  }
0x3: {  	s6 =	rddreg [dreg:$0x2];
	s9 =	simm.s32 $0x1A80;
	s10 =	simm.s32 $0x2280  }
0x4: {  	s11 =	simm.s32 $0x2A80;
	s12 =	simm.s32 $0x3280;
	s13 =	simm.s32 $0x3A80  }
0x5: {  	s14 =	simm.s32 $0x4280;
	s15 =	simm.s32 $0x4A80;
	s16 =	simm.s32 $0x5280  }
0x6: {  	s17 =	simm.s32 $0x5A80;
	s2 =	sand.u32 $0x1, s2;
	s3 =	sshll.u32 s0, $0x1  }
0x7: {  	s28 =	simm.s32 $0xAA80;
	s29 =	simm.s32 $0xB280;
	s5 =	sor.u32 s2, s3  }
0x8: {  	s30 =	simm.s32 $0xBA80;
	s31 =	simm.s32 $0x1;
	s7 =	smul.u32 $0x48, s5  }
0x9: {  	s3 =	simm.s32 $0x0;
	s2 =	ssub.s32 $0x2, s2;
	s8 =	smul.u32 $0x24000, s5  }
0xa: {  	[smem:$0x7FF] =	sst s3;
	s5 =	smul.u32 $0x4800, s5;
	s24 =	sshrl.u32 s2, $0x1  }
0xb: {  	_ =	strace $0x80000047;
	s2 =	ssub.s32 s2, s24;
	s24 =	simm.s32 $0x9280  }
0xc: {  	s4 =	sadd.s32 s4, s7;
	s18 =	sshrl.u32 s8, $0x3;
	s19 =	sadd.s32 s6, s5  }
0xd: {  	s5 =	simm.s32 $0x3;
	s7 =	simm.s32 $0xA80;
	[dreg:$0x4] =	wrdreg s4  }
0xe: {  	s8 =	simm.s32 $0x1280;
	s20 =	sadd.s32 s6, s18;
	[dreg:$0x5] =	wrdreg s19  }
0xf: {  	s4 =	smax.u32 s2, $0x1;
	s6 =	simm.s32 $0x280;
	s21 =	sadd.s32 $0xC00, s20  }
0x10: {  	s18 =	simm.s32 $0x6280;
	s22 =	sadd.s32 $0x1800, s20;
	[dreg:$0x6] =	wrdreg s21  }
0x11: {  	s19 =	simm.s32 $0x6A80;
	s23 =	sadd.s32 $0x2400, s20;
	[dreg:$0x7] =	wrdreg s22  }
0x12: {  	s2 =	simm.s32 $0x2;
	s25 =	sadd.s32 $0x3000, s20;
	[dreg:$0x8] =	wrdreg s23  }
0x13: {  	v2 =	vlaneseq.u32;
	s26 =	sadd.s32 $0x3C00, s20;
	s20 =	simm.s32 $0x7280;
	[dreg:$0x9] =	wrdreg s25  }
0x14: {  	vm0 =	vmmov $0xffff;
	v1 =	vshrl.u32 v2, $0x3;
	[dreg:$0xa] =	wrdreg s26;
	s21 =	simm.s32 $0x7A80;
	s22 =	simm.s32 $0x8280  }
0x15: {  	v0 =	vand.u32 $0x7, v2;
	v2 =	vor.u32 $0x8, v2;
	v1 =	vmul.u32 $0x8, v1;
	s23 =	simm.s32 $0x8A80;
	s25 =	simm.s32 $0x9A80;
	s26 =	simm.s32 $0xA280  }
.LBB2_1:
0x16: {  	s0 =	rddreg [dreg:$0x4]  }
0x17: {  	[tilespmem:s3], [sflag:$0x3] =	stream.linear.gather [hbm4b:s0+s3], $0x240, $0x38;
	[tilespmem:$0xC280] =	vst v63  }
0x18: {  	_ =	swait.ge [sflag:s5], $0x240  }
0x19: {  	[sflag:s5] =	ssyncset.done $0x0  }
0x1a: {  	[sflag:s5] =	ssyncadd.s32 $0xFFFFFDC0  }
0x1b: {  	v3 =	vld [tilespmem:$0x0];
	_ =	sdelay $0x4  }
0x1c: {  	v4 =	vshll.u32 v3, $0x1  }
0x1d: {  	v3 =	vand.u32 $0x7, v3;
	v4 =	vand.u32 $0xFFFFFFF0, v4  }
0x1e: {  	v3 =	vor.u32 v3, v4  }
0x1f: {  	v4 =	vperm.xlane v3, v0;
	_ =	sdelay $0x1  }
0x20: {  	v3 =	vperm.xlane v3, v2;
	v4 =	vadd.s32 v1, v4;
	_ =	sdelay $0x1  }
0x21: {  	v3 =	vadd.s32 v1, v3;
	_ =	sdelay $0x2  }
0x22: {  	[tilespmem:s6], [sflag:$0x1] =	stream.indirect_vreg.gather [hbm4b:s1+s3], $0x80, v4, vm0, $0xb8;
	[tilespmem:$0xC280] =	vst v63  }
0x23: {  	_ = 	snop  }
0x24: {  	[tilespmem:s7], [sflag:$0x1] =	stream.indirect_vreg.gather [hbm4b:s1+s3], $0x80, v3, vm0, $0xb8;
	[tilespmem:$0xC280] =	vst v63  }
0x25: {  	v3 =	vld [tilespmem:$0x10];
	_ =	sdelay $0x4  }
0x26: {  	v29 =	vshll.u32 v3, $0x1  }
0x27: {  	v3 =	vand.u32 $0x7, v3;
	v4 =	vand.u32 $0xFFFFFFF0, v29  }
0x28: {  	v3 =	vor.u32 v3, v4  }
0x29: {  	v4 =	vperm.xlane v3, v0;
	_ =	sdelay $0x1  }
0x2a: {  	v3 =	vperm.xlane v3, v2;
	v4 =	vadd.s32 v1, v4;
	_ =	sdelay $0x1  }
0x2b: {  	v3 =	vadd.s32 v1, v3;
	_ =	sdelay $0x2  }
0x2c: {  	[tilespmem:s8], [sflag:$0x1] =	stream.indirect_vreg.gather [hbm4b:s1+s3], $0x80, v4, vm0, $0xb8;
	[tilespmem:$0xC280] =	vst v63  }
0x2d: {  	_ = 	snop  }
0x2e: {  	[tilespmem:s9], [sflag:$0x1] =	stream.indirect_vreg.gather [hbm4b:s1+s3], $0x80, v3, vm0, $0xb8;
	[tilespmem:$0xC280] =	vst v63  }
0x2f: {  	v3 =	vld [tilespmem:$0x20];
	_ =	sdelay $0x4  }
0x30: {  	v30 =	vshll.u32 v3, $0x1  }
0x31: {  	v3 =	vand.u32 $0x7, v3;
	v4 =	vand.u32 $0xFFFFFFF0, v30  }
0x32: {  	v3 =	vor.u32 v3, v4  }
0x33: {  	v4 =	vperm.xlane v3, v0;
	_ =	sdelay $0x1  }
0x34: {  	v3 =	vperm.xlane v3, v2;
	v4 =	vadd.s32 v1, v4;
	_ =	sdelay $0x1  }
0x35: {  	v3 =	vadd.s32 v1, v3;
	_ =	sdelay $0x2  }
0x36: {  	[tilespmem:s10], [sflag:$0x1] =	stream.indirect_vreg.gather [hbm4b:s1+s3], $0x80, v4, vm0, $0xb8;
	[tilespmem:$0xC280] =	vst v63  }
0x37: {  	_ = 	snop  }
0x38: {  	[tilespmem:s11], [sflag:$0x1] =	stream.indirect_vreg.gather [hbm4b:s1+s3], $0x80, v3, vm0, $0xb8;
	[tilespmem:$0xC280] =	vst v63  }
0x39: {  	v3 =	vld [tilespmem:$0x30];
	_ =	sdelay $0x4  }
0x3a: {  	v31 =	vshll.u32 v3, $0x1  }
0x3b: {  	v3 =	vand.u32 $0x7, v3;
	v4 =	vand.u32 $0xFFFFFFF0, v31  }
0x3c: {  	v3 =	vor.u32 v3, v4  }
0x3d: {  	v4 =	vperm.xlane v3, v0;
	_ =	sdelay $0x1  }
0x3e: {  	v3 =	vperm.xlane v3, v2;
	v4 =	vadd.s32 v1, v4;
	_ =	sdelay $0x1  }
0x3f: {  	v3 =	vadd.s32 v1, v3;
	_ =	sdelay $0x2  }
0x40: {  	[tilespmem:s12], [sflag:$0x1] =	stream.indirect_vreg.gather [hbm4b:s1+s3], $0x80, v4, vm0, $0xb8;
	[tilespmem:$0xC280] =	vst v63  }
0x41: {  	_ = 	snop  }
0x42: {  	[tilespmem:s13], [sflag:$0x1] =	stream.indirect_vreg.gather [hbm4b:s1+s3], $0x80, v3, vm0, $0xb8;
	[tilespmem:$0xC280] =	vst v63  }
0x43: {  	v3 =	vld [tilespmem:$0x40];
	_ =	sdelay $0x4  }
0x44: {  	v32 =	vshll.u32 v3, $0x1  }
0x45: {  	v3 =	vand.u32 $0x7, v3;
	v4 =	vand.u32 $0xFFFFFFF0, v32  }
0x46: {  	v3 =	vor.u32 v3, v4  }
0x47: {  	v4 =	vperm.xlane v3, v0;
	_ =	sdelay $0x1  }
0x48: {  	v3 =	vperm.xlane v3, v2;
	v4 =	vadd.s32 v1, v4;
	_ =	sdelay $0x1  }
0x49: {  	v3 =	vadd.s32 v1, v3;
	_ =	sdelay $0x2  }
0x4a: {  	[tilespmem:s14], [sflag:$0x1] =	stream.indirect_vreg.gather [hbm4b:s1+s3], $0x80, v4, vm0, $0xb8;
	[tilespmem:$0xC280] =	vst v63  }
0x4b: {  	_ = 	snop  }
0x4c: {  	[tilespmem:s15], [sflag:$0x1] =	stream.indirect_vreg.gather [hbm4b:s1+s3], $0x80, v3, vm0, $0xb8;
	[tilespmem:$0xC280] =	vst v63  }
0x4d: {  	v3 =	vld [tilespmem:$0x50];
	_ =	sdelay $0x4  }
0x4e: {  	v33 =	vshll.u32 v3, $0x1  }
0x4f: {  	v3 =	vand.u32 $0x7, v3;
	v4 =	vand.u32 $0xFFFFFFF0, v33  }
0x50: {  	v3 =	vor.u32 v3, v4  }
0x51: {  	v4 =	vperm.xlane v3, v0;
	_ =	sdelay $0x1  }
0x52: {  	v3 =	vperm.xlane v3, v2;
	v4 =	vadd.s32 v1, v4;
	_ =	sdelay $0x1  }
0x53: {  	v3 =	vadd.s32 v1, v3;
	_ =	sdelay $0x2  }
0x54: {  	[tilespmem:s16], [sflag:$0x1] =	stream.indirect_vreg.gather [hbm4b:s1+s3], $0x80, v4, vm0, $0xb8;
	[tilespmem:$0xC280] =	vst v63  }
0x55: {  	_ = 	snop  }
0x56: {  	[tilespmem:s17], [sflag:$0x1] =	stream.indirect_vreg.gather [hbm4b:s1+s3], $0x80, v3, vm0, $0xb8;
	[tilespmem:$0xC280] =	vst v63  }
0x57: {  	v3 =	vld [tilespmem:$0x60];
	_ =	sdelay $0x4  }
0x58: {  	v34 =	vshll.u32 v3, $0x1  }
0x59: {  	v3 =	vand.u32 $0x7, v3;
	v4 =	vand.u32 $0xFFFFFFF0, v34  }
0x5a: {  	v3 =	vor.u32 v3, v4  }
0x5b: {  	v4 =	vperm.xlane v3, v0;
	_ =	sdelay $0x1  }
0x5c: {  	v3 =	vperm.xlane v3, v2;
	v4 =	vadd.s32 v1, v4;
	_ =	sdelay $0x1  }
0x5d: {  	v3 =	vadd.s32 v1, v3;
	_ =	sdelay $0x2  }
0x5e: {  	[tilespmem:s18], [sflag:$0x2] =	stream.indirect_vreg.gather [hbm4b:s1+s3], $0x80, v4, vm0, $0xb8;
	[tilespmem:$0xC280] =	vst v63  }
0x5f: {  	_ = 	snop  }
0x60: {  	[tilespmem:s19], [sflag:$0x2] =	stream.indirect_vreg.gather [hbm4b:s1+s3], $0x80, v3, vm0, $0xb8;
	[tilespmem:$0xC280] =	vst v63  }
0x61: {  	v3 =	vld [tilespmem:$0x70];
	_ =	sdelay $0x4  }
0x62: {  	v35 =	vshll.u32 v3, $0x1  }
0x63: {  	v3 =	vand.u32 $0x7, v3;
	v4 =	vand.u32 $0xFFFFFFF0, v35  }
0x64: {  	v3 =	vor.u32 v3, v4  }
0x65: {  	v4 =	vperm.xlane v3, v0;
	_ =	sdelay $0x1  }
0x66: {  	v3 =	vperm.xlane v3, v2;
	v4 =	vadd.s32 v1, v4;
	_ =	sdelay $0x1  }
0x67: {  	v3 =	vadd.s32 v1, v3;
	_ =	sdelay $0x2  }
0x68: {  	[tilespmem:s20], [sflag:$0x2] =	stream.indirect_vreg.gather [hbm4b:s1+s3], $0x80, v4, vm0, $0xb8;
	[tilespmem:$0xC280] =	vst v63  }
0x69: {  	_ = 	snop  }
0x6a: {  	[tilespmem:s21], [sflag:$0x2] =	stream.indirect_vreg.gather [hbm4b:s1+s3], $0x80, v3, vm0, $0xb8;
	[tilespmem:$0xC280] =	vst v63  }
0x6b: {  	v3 =	vld [tilespmem:$0x80];
	_ =	sdelay $0x4  }
0x6c: {  	v36 =	vshll.u32 v3, $0x1  }
0x6d: {  	v3 =	vand.u32 $0x7, v3;
	v4 =	vand.u32 $0xFFFFFFF0, v36  }
0x6e: {  	v3 =	vor.u32 v3, v4  }
0x6f: {  	v4 =	vperm.xlane v3, v0;
	_ =	sdelay $0x1  }
0x70: {  	v3 =	vperm.xlane v3, v2;
	v4 =	vadd.s32 v1, v4;
	_ =	sdelay $0x1  }
0x71: {  	v3 =	vadd.s32 v1, v3;
	_ =	sdelay $0x2  }
0x72: {  	[tilespmem:s22], [sflag:$0x2] =	stream.indirect_vreg.gather [hbm4b:s1+s3], $0x80, v4, vm0, $0xb8;
	[tilespmem:$0xC280] =	vst v63  }
0x73: {  	_ = 	snop  }
0x74: {  	[tilespmem:s23], [sflag:$0x2] =	stream.indirect_vreg.gather [hbm4b:s1+s3], $0x80, v3, vm0, $0xb8;
	[tilespmem:$0xC280] =	vst v63  }
0x75: {  	v3 =	vld [tilespmem:$0x90];
	_ =	sdelay $0x4  }
0x76: {  	v37 =	vshll.u32 v3, $0x1  }
0x77: {  	v3 =	vand.u32 $0x7, v3;
	v4 =	vand.u32 $0xFFFFFFF0, v37  }
0x78: {  	v3 =	vor.u32 v3, v4  }
0x79: {  	v4 =	vperm.xlane v3, v0;
	_ =	sdelay $0x1  }
0x7a: {  	v3 =	vperm.xlane v3, v2;
	v4 =	vadd.s32 v1, v4;
	_ =	sdelay $0x1  }
0x7b: {  	v3 =	vadd.s32 v1, v3;
	_ =	sdelay $0x2  }
0x7c: {  	[tilespmem:s24], [sflag:$0x2] =	stream.indirect_vreg.gather [hbm4b:s1+s3], $0x80, v4, vm0, $0xb8;
	[tilespmem:$0xC280] =	vst v63  }
0x7d: {  	_ = 	snop  }
0x7e: {  	[tilespmem:s25], [sflag:$0x2] =	stream.indirect_vreg.gather [hbm4b:s1+s3], $0x80, v3, vm0, $0xb8;
	[tilespmem:$0xC280] =	vst v63  }
0x7f: {  	v3 =	vld [tilespmem:$0xA0];
	_ =	sdelay $0x4  }
0x80: {  	v38 =	vshll.u32 v3, $0x1  }
0x81: {  	v3 =	vand.u32 $0x7, v3;
	v4 =	vand.u32 $0xFFFFFFF0, v38  }
0x82: {  	v3 =	vor.u32 v3, v4  }
0x83: {  	v4 =	vperm.xlane v3, v0;
	_ =	sdelay $0x1  }
0x84: {  	v3 =	vperm.xlane v3, v2;
	v4 =	vadd.s32 v1, v4;
	_ =	sdelay $0x1  }
0x85: {  	v3 =	vadd.s32 v1, v3;
	_ =	sdelay $0x2  }
0x86: {  	[tilespmem:s26], [sflag:$0x2] =	stream.indirect_vreg.gather [hbm4b:s1+s3], $0x80, v4, vm0, $0xb8;
	[tilespmem:$0xC280] =	vst v63  }
0x87: {  	_ = 	snop  }
0x88: {  	[tilespmem:s28], [sflag:$0x2] =	stream.indirect_vreg.gather [hbm4b:s1+s3], $0x80, v3, vm0, $0xb8;
	[tilespmem:$0xC280] =	vst v63  }
0x89: {  	v3 =	vld [tilespmem:$0xB0];
	_ =	sdelay $0x4  }
0x8a: {  	v39 =	vshll.u32 v3, $0x1  }
0x8b: {  	v3 =	vand.u32 $0x7, v3;
	v4 =	vand.u32 $0xFFFFFFF0, v39  }
0x8c: {  	v3 =	vor.u32 v3, v4  }
0x8d: {  	v4 =	vperm.xlane v3, v0;
	_ =	sdelay $0x1  }
0x8e: {  	v3 =	vperm.xlane v3, v2;
	v4 =	vadd.s32 v1, v4;
	_ =	sdelay $0x1  }
0x8f: {  	v3 =	vadd.s32 v1, v3;
	_ =	sdelay $0x2  }
0x90: {  	[tilespmem:s29], [sflag:$0x2] =	stream.indirect_vreg.gather [hbm4b:s1+s3], $0x80, v4, vm0, $0xb8;
	[tilespmem:$0xC280] =	vst v63  }
0x91: {  	_ = 	snop  }
0x92: {  	[tilespmem:s30], [sflag:$0x2] =	stream.indirect_vreg.gather [hbm4b:s1+s3], $0x80, v3, vm0, $0xb8;
	[tilespmem:$0xC280] =	vst v63  }
0x93: {  	_ =	swait.ge [sflag:s31], $0x6000  }
0x94: {  	[sflag:s31] =	ssyncset.done $0x0  }
0x95: {  	s0 =	rddreg [dreg:$0x5];
	[sflag:s31] =	ssyncadd.s32 $0xFFFFA000  }
0x96: {  	[hbm4b:s0+s3] =	stream.linear.scatter [tilespmem:s6], [sflag:$0x3], $0x6000, $0x38;
	[tilespmem:$0xC280] =	vst v63  }
0x97: {  	_ =	swait.ge [sflag:s5], $0x6000  }
0x98: {  	[sflag:s5] =	ssyncset.done $0x0  }
0x99: {  	[sflag:s5] =	ssyncadd.s32 $0xFFFFA000  }
0x9a: {  	v3 =	vld [tilespmem:$0xC0];
	_ =	sdelay $0x4  }
0x9b: {  	v40 =	vshll.u32 v3, $0x1  }
0x9c: {  	v3 =	vand.u32 $0x7, v3;
	v4 =	vand.u32 $0xFFFFFFF0, v40  }
0x9d: {  	v3 =	vor.u32 v3, v4  }
0x9e: {  	v4 =	vperm.xlane v3, v0;
	_ =	sdelay $0x1  }
0x9f: {  	v3 =	vperm.xlane v3, v2;
	v4 =	vadd.s32 v1, v4;
	_ =	sdelay $0x1  }
0xa0: {  	v3 =	vadd.s32 v1, v3;
	_ =	sdelay $0x2  }
0xa1: {  	[tilespmem:s6], [sflag:$0x1] =	stream.indirect_vreg.gather [hbm4b:s1+s3], $0x80, v4, vm0, $0xb8;
	[tilespmem:$0xC280] =	vst v63  }
0xa2: {  	_ = 	snop  }
0xa3: {  	[tilespmem:s7], [sflag:$0x1] =	stream.indirect_vreg.gather [hbm4b:s1+s3], $0x80, v3, vm0, $0xb8;
	[tilespmem:$0xC280] =	vst v63  }
0xa4: {  	v3 =	vld [tilespmem:$0xD0];
	_ =	sdelay $0x4  }
0xa5: {  	v41 =	vshll.u32 v3, $0x1  }
0xa6: {  	v3 =	vand.u32 $0x7, v3;
	v4 =	vand.u32 $0xFFFFFFF0, v41  }
0xa7: {  	v3 =	vor.u32 v3, v4  }
0xa8: {  	v4 =	vperm.xlane v3, v0;
	_ =	sdelay $0x1  }
0xa9: {  	v3 =	vperm.xlane v3, v2;
	v4 =	vadd.s32 v1, v4;
	_ =	sdelay $0x1  }
0xaa: {  	v3 =	vadd.s32 v1, v3;
	_ =	sdelay $0x2  }
0xab: {  	[tilespmem:s8], [sflag:$0x1] =	stream.indirect_vreg.gather [hbm4b:s1+s3], $0x80, v4, vm0, $0xb8;
	[tilespmem:$0xC280] =	vst v63  }
0xac: {  	_ = 	snop  }
0xad: {  	[tilespmem:s9], [sflag:$0x1] =	stream.indirect_vreg.gather [hbm4b:s1+s3], $0x80, v3, vm0, $0xb8;
	[tilespmem:$0xC280] =	vst v63  }
0xae: {  	v3 =	vld [tilespmem:$0xE0];
	_ =	sdelay $0x4  }
0xaf: {  	v42 =	vshll.u32 v3, $0x1  }
0xb0: {  	v3 =	vand.u32 $0x7, v3;
	v4 =	vand.u32 $0xFFFFFFF0, v42  }
0xb1: {  	v3 =	vor.u32 v3, v4  }
0xb2: {  	v4 =	vperm.xlane v3, v0;
	_ =	sdelay $0x1  }
0xb3: {  	v3 =	vperm.xlane v3, v2;
	v4 =	vadd.s32 v1, v4;
	_ =	sdelay $0x1  }
0xb4: {  	v3 =	vadd.s32 v1, v3;
	_ =	sdelay $0x2  }
0xb5: {  	[tilespmem:s10], [sflag:$0x1] =	stream.indirect_vreg.gather [hbm4b:s1+s3], $0x80, v4, vm0, $0xb8;
	[tilespmem:$0xC280] =	vst v63  }
0xb6: {  	_ = 	snop  }
0xb7: {  	[tilespmem:s11], [sflag:$0x1] =	stream.indirect_vreg.gather [hbm4b:s1+s3], $0x80, v3, vm0, $0xb8;
	[tilespmem:$0xC280] =	vst v63  }
0xb8: {  	v3 =	vld [tilespmem:$0xF0];
	_ =	sdelay $0x4  }
0xb9: {  	v43 =	vshll.u32 v3, $0x1  }
0xba: {  	v3 =	vand.u32 $0x7, v3;
	v4 =	vand.u32 $0xFFFFFFF0, v43  }
0xbb: {  	v3 =	vor.u32 v3, v4  }
0xbc: {  	v4 =	vperm.xlane v3, v0;
	_ =	sdelay $0x1  }
0xbd: {  	v3 =	vperm.xlane v3, v2;
	v4 =	vadd.s32 v1, v4;
	_ =	sdelay $0x1  }
0xbe: {  	v3 =	vadd.s32 v1, v3;
	_ =	sdelay $0x2  }
0xbf: {  	[tilespmem:s12], [sflag:$0x1] =	stream.indirect_vreg.gather [hbm4b:s1+s3], $0x80, v4, vm0, $0xb8;
	[tilespmem:$0xC280] =	vst v63  }
0xc0: {  	_ = 	snop  }
0xc1: {  	[tilespmem:s13], [sflag:$0x1] =	stream.indirect_vreg.gather [hbm4b:s1+s3], $0x80, v3, vm0, $0xb8;
	[tilespmem:$0xC280] =	vst v63  }
0xc2: {  	v3 =	vld [tilespmem:$0x100];
	_ =	sdelay $0x4  }
0xc3: {  	v44 =	vshll.u32 v3, $0x1  }
0xc4: {  	v3 =	vand.u32 $0x7, v3;
	v4 =	vand.u32 $0xFFFFFFF0, v44  }
0xc5: {  	v3 =	vor.u32 v3, v4  }
0xc6: {  	v4 =	vperm.xlane v3, v0;
	_ =	sdelay $0x1  }
0xc7: {  	v3 =	vperm.xlane v3, v2;
	v4 =	vadd.s32 v1, v4;
	_ =	sdelay $0x1  }
0xc8: {  	v3 =	vadd.s32 v1, v3;
	_ =	sdelay $0x2  }
0xc9: {  	[tilespmem:s14], [sflag:$0x1] =	stream.indirect_vreg.gather [hbm4b:s1+s3], $0x80, v4, vm0, $0xb8;
	[tilespmem:$0xC280] =	vst v63  }
0xca: {  	_ = 	snop  }
0xcb: {  	[tilespmem:s15], [sflag:$0x1] =	stream.indirect_vreg.gather [hbm4b:s1+s3], $0x80, v3, vm0, $0xb8;
	[tilespmem:$0xC280] =	vst v63  }
0xcc: {  	v3 =	vld [tilespmem:$0x110];
	_ =	sdelay $0x4  }
0xcd: {  	v45 =	vshll.u32 v3, $0x1  }
0xce: {  	v3 =	vand.u32 $0x7, v3;
	v4 =	vand.u32 $0xFFFFFFF0, v45  }
0xcf: {  	v3 =	vor.u32 v3, v4  }
0xd0: {  	v4 =	vperm.xlane v3, v0;
	_ =	sdelay $0x1  }
0xd1: {  	v3 =	vperm.xlane v3, v2;
	v4 =	vadd.s32 v1, v4;
	_ =	sdelay $0x1  }
0xd2: {  	v3 =	vadd.s32 v1, v3;
	_ =	sdelay $0x2  }
0xd3: {  	[tilespmem:s16], [sflag:$0x1] =	stream.indirect_vreg.gather [hbm4b:s1+s3], $0x80, v4, vm0, $0xb8;
	[tilespmem:$0xC280] =	vst v63  }
0xd4: {  	_ = 	snop  }
0xd5: {  	[tilespmem:s17], [sflag:$0x1] =	stream.indirect_vreg.gather [hbm4b:s1+s3], $0x80, v3, vm0, $0xb8;
	[tilespmem:$0xC280] =	vst v63  }
0xd6: {  	_ =	swait.ge [sflag:s2], $0x6000  }
0xd7: {  	[sflag:s2] =	ssyncset.done $0x0  }
0xd8: {  	s0 =	rddreg [dreg:$0x6];
	[sflag:s2] =	ssyncadd.s32 $0xFFFFA000  }
0xd9: {  	[hbm4b:s0+s3] =	stream.linear.scatter [tilespmem:s18], [sflag:$0x3], $0x6000, $0x38;
	[tilespmem:$0xC280] =	vst v63  }
0xda: {  	_ =	swait.ge [sflag:s5], $0x6000  }
0xdb: {  	[sflag:s5] =	ssyncset.done $0x0  }
0xdc: {  	[sflag:s5] =	ssyncadd.s32 $0xFFFFA000  }
0xdd: {  	v3 =	vld [tilespmem:$0x120];
	_ =	sdelay $0x4  }
0xde: {  	v46 =	vshll.u32 v3, $0x1  }
0xdf: {  	v3 =	vand.u32 $0x7, v3;
	v4 =	vand.u32 $0xFFFFFFF0, v46  }
0xe0: {  	v3 =	vor.u32 v3, v4  }
0xe1: {  	v4 =	vperm.xlane v3, v0;
	_ =	sdelay $0x1  }
0xe2: {  	v3 =	vperm.xlane v3, v2;
	v4 =	vadd.s32 v1, v4;
	_ =	sdelay $0x1  }
0xe3: {  	v3 =	vadd.s32 v1, v3;
	_ =	sdelay $0x2  }
0xe4: {  	[tilespmem:s18], [sflag:$0x2] =	stream.indirect_vreg.gather [hbm4b:s1+s3], $0x80, v4, vm0, $0xb8;
	[tilespmem:$0xC280] =	vst v63  }
0xe5: {  	_ = 	snop  }
0xe6: {  	[tilespmem:s19], [sflag:$0x2] =	stream.indirect_vreg.gather [hbm4b:s1+s3], $0x80, v3, vm0, $0xb8;
	[tilespmem:$0xC280] =	vst v63  }
0xe7: {  	v3 =	vld [tilespmem:$0x130];
	_ =	sdelay $0x4  }
0xe8: {  	v47 =	vshll.u32 v3, $0x1  }
0xe9: {  	v3 =	vand.u32 $0x7, v3;
	v4 =	vand.u32 $0xFFFFFFF0, v47  }
0xea: {  	v3 =	vor.u32 v3, v4  }
0xeb: {  	v4 =	vperm.xlane v3, v0;
	_ =	sdelay $0x1  }
0xec: {  	v3 =	vperm.xlane v3, v2;
	v4 =	vadd.s32 v1, v4;
	_ =	sdelay $0x1  }
0xed: {  	v3 =	vadd.s32 v1, v3;
	_ =	sdelay $0x2  }
0xee: {  	[tilespmem:s20], [sflag:$0x2] =	stream.indirect_vreg.gather [hbm4b:s1+s3], $0x80, v4, vm0, $0xb8;
	[tilespmem:$0xC280] =	vst v63  }
0xef: {  	_ = 	snop  }
0xf0: {  	[tilespmem:s21], [sflag:$0x2] =	stream.indirect_vreg.gather [hbm4b:s1+s3], $0x80, v3, vm0, $0xb8;
	[tilespmem:$0xC280] =	vst v63  }
0xf1: {  	v3 =	vld [tilespmem:$0x140];
	_ =	sdelay $0x4  }
0xf2: {  	v48 =	vshll.u32 v3, $0x1  }
0xf3: {  	v3 =	vand.u32 $0x7, v3;
	v4 =	vand.u32 $0xFFFFFFF0, v48  }
0xf4: {  	v3 =	vor.u32 v3, v4  }
0xf5: {  	v4 =	vperm.xlane v3, v0;
	_ =	sdelay $0x1  }
0xf6: {  	v3 =	vperm.xlane v3, v2;
	v4 =	vadd.s32 v1, v4;
	_ =	sdelay $0x1  }
0xf7: {  	v3 =	vadd.s32 v1, v3;
	_ =	sdelay $0x2  }
0xf8: {  	[tilespmem:s22], [sflag:$0x2] =	stream.indirect_vreg.gather [hbm4b:s1+s3], $0x80, v4, vm0, $0xb8;
	[tilespmem:$0xC280] =	vst v63  }
0xf9: {  	_ = 	snop  }
0xfa: {  	[tilespmem:s23], [sflag:$0x2] =	stream.indirect_vreg.gather [hbm4b:s1+s3], $0x80, v3, vm0, $0xb8;
	[tilespmem:$0xC280] =	vst v63  }
0xfb: {  	v3 =	vld [tilespmem:$0x150];
	_ =	sdelay $0x4  }
0xfc: {  	v49 =	vshll.u32 v3, $0x1  }
0xfd: {  	v3 =	vand.u32 $0x7, v3;
	v4 =	vand.u32 $0xFFFFFFF0, v49  }
0xfe: {  	v3 =	vor.u32 v3, v4  }
0xff: {  	v4 =	vperm.xlane v3, v0;
	_ =	sdelay $0x1  }
0x100: {  	v3 =	vperm.xlane v3, v2;
	v4 =	vadd.s32 v1, v4;
	_ =	sdelay $0x1  }
0x101: {  	v3 =	vadd.s32 v1, v3;
	_ =	sdelay $0x2  }
0x102: {  	[tilespmem:s24], [sflag:$0x2] =	stream.indirect_vreg.gather [hbm4b:s1+s3], $0x80, v4, vm0, $0xb8;
	[tilespmem:$0xC280] =	vst v63  }
0x103: {  	_ = 	snop  }
0x104: {  	[tilespmem:s25], [sflag:$0x2] =	stream.indirect_vreg.gather [hbm4b:s1+s3], $0x80, v3, vm0, $0xb8;
	[tilespmem:$0xC280] =	vst v63  }
0x105: {  	v3 =	vld [tilespmem:$0x160];
	_ =	sdelay $0x4  }
0x106: {  	v50 =	vshll.u32 v3, $0x1  }
0x107: {  	v3 =	vand.u32 $0x7, v3;
	v4 =	vand.u32 $0xFFFFFFF0, v50  }
0x108: {  	v3 =	vor.u32 v3, v4  }
0x109: {  	v4 =	vperm.xlane v3, v0;
	_ =	sdelay $0x1  }
0x10a: {  	v3 =	vperm.xlane v3, v2;
	v4 =	vadd.s32 v1, v4;
	_ =	sdelay $0x1  }
0x10b: {  	v3 =	vadd.s32 v1, v3;
	_ =	sdelay $0x2  }
0x10c: {  	[tilespmem:s26], [sflag:$0x2] =	stream.indirect_vreg.gather [hbm4b:s1+s3], $0x80, v4, vm0, $0xb8;
	[tilespmem:$0xC280] =	vst v63  }
0x10d: {  	_ = 	snop  }
0x10e: {  	[tilespmem:s28], [sflag:$0x2] =	stream.indirect_vreg.gather [hbm4b:s1+s3], $0x80, v3, vm0, $0xb8;
	[tilespmem:$0xC280] =	vst v63  }
0x10f: {  	v3 =	vld [tilespmem:$0x170];
	_ =	sdelay $0x4  }
0x110: {  	v51 =	vshll.u32 v3, $0x1  }
0x111: {  	v3 =	vand.u32 $0x7, v3;
	v4 =	vand.u32 $0xFFFFFFF0, v51  }
0x112: {  	v3 =	vor.u32 v3, v4  }
0x113: {  	v4 =	vperm.xlane v3, v0;
	_ =	sdelay $0x1  }
0x114: {  	v3 =	vperm.xlane v3, v2;
	v4 =	vadd.s32 v1, v4;
	_ =	sdelay $0x1  }
0x115: {  	v3 =	vadd.s32 v1, v3;
	_ =	sdelay $0x2  }
0x116: {  	[tilespmem:s29], [sflag:$0x2] =	stream.indirect_vreg.gather [hbm4b:s1+s3], $0x80, v4, vm0, $0xb8;
	[tilespmem:$0xC280] =	vst v63  }
0x117: {  	_ = 	snop  }
0x118: {  	[tilespmem:s30], [sflag:$0x2] =	stream.indirect_vreg.gather [hbm4b:s1+s3], $0x80, v3, vm0, $0xb8;
	[tilespmem:$0xC280] =	vst v63  }
0x119: {  	_ =	swait.ge [sflag:s31], $0x6000  }
0x11a: {  	[sflag:s31] =	ssyncset.done $0x0  }
0x11b: {  	s0 =	rddreg [dreg:$0x7];
	[sflag:s31] =	ssyncadd.s32 $0xFFFFA000  }
0x11c: {  	[hbm4b:s0+s3] =	stream.linear.scatter [tilespmem:s6], [sflag:$0x3], $0x6000, $0x38;
	[tilespmem:$0xC280] =	vst v63  }
0x11d: {  	_ =	swait.ge [sflag:s5], $0x6000  }
0x11e: {  	[sflag:s5] =	ssyncset.done $0x0  }
0x11f: {  	[sflag:s5] =	ssyncadd.s32 $0xFFFFA000  }
0x120: {  	v3 =	vld [tilespmem:$0x180];
	_ =	sdelay $0x4  }
0x121: {  	v52 =	vshll.u32 v3, $0x1  }
0x122: {  	v3 =	vand.u32 $0x7, v3;
	v4 =	vand.u32 $0xFFFFFFF0, v52  }
0x123: {  	v3 =	vor.u32 v3, v4  }
0x124: {  	v4 =	vperm.xlane v3, v0;
	_ =	sdelay $0x1  }
0x125: {  	v3 =	vperm.xlane v3, v2;
	v4 =	vadd.s32 v1, v4;
	_ =	sdelay $0x1  }
0x126: {  	v3 =	vadd.s32 v1, v3;
	_ =	sdelay $0x2  }
0x127: {  	[tilespmem:s6], [sflag:$0x1] =	stream.indirect_vreg.gather [hbm4b:s1+s3], $0x80, v4, vm0, $0xb8;
	[tilespmem:$0xC280] =	vst v63  }
0x128: {  	_ = 	snop  }
0x129: {  	[tilespmem:s7], [sflag:$0x1] =	stream.indirect_vreg.gather [hbm4b:s1+s3], $0x80, v3, vm0, $0xb8;
	[tilespmem:$0xC280] =	vst v63  }
0x12a: {  	v3 =	vld [tilespmem:$0x190];
	_ =	sdelay $0x4  }
0x12b: {  	v53 =	vshll.u32 v3, $0x1  }
0x12c: {  	v3 =	vand.u32 $0x7, v3;
	v4 =	vand.u32 $0xFFFFFFF0, v53  }
0x12d: {  	v3 =	vor.u32 v3, v4  }
0x12e: {  	v4 =	vperm.xlane v3, v0;
	_ =	sdelay $0x1  }
0x12f: {  	v3 =	vperm.xlane v3, v2;
	v4 =	vadd.s32 v1, v4;
	_ =	sdelay $0x1  }
0x130: {  	v3 =	vadd.s32 v1, v3;
	_ =	sdelay $0x2  }
0x131: {  	[tilespmem:s8], [sflag:$0x1] =	stream.indirect_vreg.gather [hbm4b:s1+s3], $0x80, v4, vm0, $0xb8;
	[tilespmem:$0xC280] =	vst v63  }
0x132: {  	_ = 	snop  }
0x133: {  	[tilespmem:s9], [sflag:$0x1] =	stream.indirect_vreg.gather [hbm4b:s1+s3], $0x80, v3, vm0, $0xb8;
	[tilespmem:$0xC280] =	vst v63  }
0x134: {  	v3 =	vld [tilespmem:$0x1A0];
	_ =	sdelay $0x4  }
0x135: {  	v54 =	vshll.u32 v3, $0x1  }
0x136: {  	v3 =	vand.u32 $0x7, v3;
	v4 =	vand.u32 $0xFFFFFFF0, v54  }
0x137: {  	v3 =	vor.u32 v3, v4  }
0x138: {  	v4 =	vperm.xlane v3, v0;
	_ =	sdelay $0x1  }
0x139: {  	v3 =	vperm.xlane v3, v2;
	v4 =	vadd.s32 v1, v4;
	_ =	sdelay $0x1  }
0x13a: {  	v3 =	vadd.s32 v1, v3;
	_ =	sdelay $0x2  }
0x13b: {  	[tilespmem:s10], [sflag:$0x1] =	stream.indirect_vreg.gather [hbm4b:s1+s3], $0x80, v4, vm0, $0xb8;
	[tilespmem:$0xC280] =	vst v63  }
0x13c: {  	_ = 	snop  }
0x13d: {  	[tilespmem:s11], [sflag:$0x1] =	stream.indirect_vreg.gather [hbm4b:s1+s3], $0x80, v3, vm0, $0xb8;
	[tilespmem:$0xC280] =	vst v63  }
0x13e: {  	v3 =	vld [tilespmem:$0x1B0];
	_ =	sdelay $0x4  }
0x13f: {  	v55 =	vshll.u32 v3, $0x1  }
0x140: {  	v3 =	vand.u32 $0x7, v3;
	v4 =	vand.u32 $0xFFFFFFF0, v55  }
0x141: {  	v3 =	vor.u32 v3, v4  }
0x142: {  	v4 =	vperm.xlane v3, v0;
	_ =	sdelay $0x1  }
0x143: {  	v3 =	vperm.xlane v3, v2;
	v4 =	vadd.s32 v1, v4;
	_ =	sdelay $0x1  }
0x144: {  	v3 =	vadd.s32 v1, v3;
	_ =	sdelay $0x2  }
0x145: {  	[tilespmem:s12], [sflag:$0x1] =	stream.indirect_vreg.gather [hbm4b:s1+s3], $0x80, v4, vm0, $0xb8;
	[tilespmem:$0xC280] =	vst v63  }
0x146: {  	_ = 	snop  }
0x147: {  	[tilespmem:s13], [sflag:$0x1] =	stream.indirect_vreg.gather [hbm4b:s1+s3], $0x80, v3, vm0, $0xb8;
	[tilespmem:$0xC280] =	vst v63  }
0x148: {  	v3 =	vld [tilespmem:$0x1C0];
	_ =	sdelay $0x4  }
0x149: {  	v56 =	vshll.u32 v3, $0x1  }
0x14a: {  	v3 =	vand.u32 $0x7, v3;
	v4 =	vand.u32 $0xFFFFFFF0, v56  }
0x14b: {  	v3 =	vor.u32 v3, v4  }
0x14c: {  	v4 =	vperm.xlane v3, v0;
	_ =	sdelay $0x1  }
0x14d: {  	v3 =	vperm.xlane v3, v2;
	v4 =	vadd.s32 v1, v4;
	_ =	sdelay $0x1  }
0x14e: {  	v3 =	vadd.s32 v1, v3;
	_ =	sdelay $0x2  }
0x14f: {  	[tilespmem:s14], [sflag:$0x1] =	stream.indirect_vreg.gather [hbm4b:s1+s3], $0x80, v4, vm0, $0xb8;
	[tilespmem:$0xC280] =	vst v63  }
0x150: {  	_ = 	snop  }
0x151: {  	[tilespmem:s15], [sflag:$0x1] =	stream.indirect_vreg.gather [hbm4b:s1+s3], $0x80, v3, vm0, $0xb8;
	[tilespmem:$0xC280] =	vst v63  }
0x152: {  	v3 =	vld [tilespmem:$0x1D0];
	_ =	sdelay $0x4  }
0x153: {  	v57 =	vshll.u32 v3, $0x1  }
0x154: {  	v3 =	vand.u32 $0x7, v3;
	v4 =	vand.u32 $0xFFFFFFF0, v57  }
0x155: {  	v3 =	vor.u32 v3, v4  }
0x156: {  	v4 =	vperm.xlane v3, v0;
	_ =	sdelay $0x1  }
0x157: {  	v3 =	vperm.xlane v3, v2;
	v4 =	vadd.s32 v1, v4;
	_ =	sdelay $0x1  }
0x158: {  	v3 =	vadd.s32 v1, v3;
	_ =	sdelay $0x2  }
0x159: {  	[tilespmem:s16], [sflag:$0x1] =	stream.indirect_vreg.gather [hbm4b:s1+s3], $0x80, v4, vm0, $0xb8;
	[tilespmem:$0xC280] =	vst v63  }
0x15a: {  	_ = 	snop  }
0x15b: {  	[tilespmem:s17], [sflag:$0x1] =	stream.indirect_vreg.gather [hbm4b:s1+s3], $0x80, v3, vm0, $0xb8;
	[tilespmem:$0xC280] =	vst v63  }
0x15c: {  	_ =	swait.ge [sflag:s2], $0x6000  }
0x15d: {  	[sflag:s2] =	ssyncset.done $0x0  }
0x15e: {  	s0 =	rddreg [dreg:$0x8];
	[sflag:s2] =	ssyncadd.s32 $0xFFFFA000  }
0x15f: {  	[hbm4b:s0+s3] =	stream.linear.scatter [tilespmem:s18], [sflag:$0x3], $0x6000, $0x38;
	[tilespmem:$0xC280] =	vst v63  }
0x160: {  	_ =	swait.ge [sflag:s5], $0x6000  }
0x161: {  	[sflag:s5] =	ssyncset.done $0x0  }
0x162: {  	[sflag:s5] =	ssyncadd.s32 $0xFFFFA000  }
0x163: {  	v3 =	vld [tilespmem:$0x1E0];
	_ =	sdelay $0x4  }
0x164: {  	v58 =	vshll.u32 v3, $0x1  }
0x165: {  	v3 =	vand.u32 $0x7, v3;
	v4 =	vand.u32 $0xFFFFFFF0, v58  }
0x166: {  	v3 =	vor.u32 v3, v4  }
0x167: {  	v4 =	vperm.xlane v3, v0;
	_ =	sdelay $0x1  }
0x168: {  	v3 =	vperm.xlane v3, v2;
	v4 =	vadd.s32 v1, v4;
	_ =	sdelay $0x1  }
0x169: {  	v3 =	vadd.s32 v1, v3;
	_ =	sdelay $0x2  }
0x16a: {  	[tilespmem:s18], [sflag:$0x2] =	stream.indirect_vreg.gather [hbm4b:s1+s3], $0x80, v4, vm0, $0xb8;
	[tilespmem:$0xC280] =	vst v63  }
0x16b: {  	_ = 	snop  }
0x16c: {  	[tilespmem:s19], [sflag:$0x2] =	stream.indirect_vreg.gather [hbm4b:s1+s3], $0x80, v3, vm0, $0xb8;
	[tilespmem:$0xC280] =	vst v63  }
0x16d: {  	v3 =	vld [tilespmem:$0x1F0];
	_ =	sdelay $0x4  }
0x16e: {  	v59 =	vshll.u32 v3, $0x1  }
0x16f: {  	v3 =	vand.u32 $0x7, v3;
	v4 =	vand.u32 $0xFFFFFFF0, v59  }
0x170: {  	v3 =	vor.u32 v3, v4  }
0x171: {  	v4 =	vperm.xlane v3, v0;
	_ =	sdelay $0x1  }
0x172: {  	v3 =	vperm.xlane v3, v2;
	v4 =	vadd.s32 v1, v4;
	_ =	sdelay $0x1  }
0x173: {  	v3 =	vadd.s32 v1, v3;
	_ =	sdelay $0x2  }
0x174: {  	[tilespmem:s20], [sflag:$0x2] =	stream.indirect_vreg.gather [hbm4b:s1+s3], $0x80, v4, vm0, $0xb8;
	[tilespmem:$0xC280] =	vst v63  }
0x175: {  	_ = 	snop  }
0x176: {  	[tilespmem:s21], [sflag:$0x2] =	stream.indirect_vreg.gather [hbm4b:s1+s3], $0x80, v3, vm0, $0xb8;
	[tilespmem:$0xC280] =	vst v63  }
0x177: {  	v3 =	vld [tilespmem:$0x200];
	_ =	sdelay $0x4  }
0x178: {  	v60 =	vshll.u32 v3, $0x1  }
0x179: {  	v3 =	vand.u32 $0x7, v3;
	v4 =	vand.u32 $0xFFFFFFF0, v60  }
0x17a: {  	v3 =	vor.u32 v3, v4  }
0x17b: {  	v4 =	vperm.xlane v3, v0;
	_ =	sdelay $0x1  }
0x17c: {  	v3 =	vperm.xlane v3, v2;
	v4 =	vadd.s32 v1, v4;
	_ =	sdelay $0x1  }
0x17d: {  	v3 =	vadd.s32 v1, v3;
	_ =	sdelay $0x2  }
0x17e: {  	[tilespmem:s22], [sflag:$0x2] =	stream.indirect_vreg.gather [hbm4b:s1+s3], $0x80, v4, vm0, $0xb8;
	[tilespmem:$0xC280] =	vst v63  }
0x17f: {  	_ = 	snop  }
0x180: {  	[tilespmem:s23], [sflag:$0x2] =	stream.indirect_vreg.gather [hbm4b:s1+s3], $0x80, v3, vm0, $0xb8;
	[tilespmem:$0xC280] =	vst v63  }
0x181: {  	v3 =	vld [tilespmem:$0x210];
	_ =	sdelay $0x4  }
0x182: {  	v61 =	vshll.u32 v3, $0x1  }
0x183: {  	v3 =	vand.u32 $0x7, v3;
	v4 =	vand.u32 $0xFFFFFFF0, v61  }
0x184: {  	v3 =	vor.u32 v3, v4  }
0x185: {  	v4 =	vperm.xlane v3, v0;
	_ =	sdelay $0x1  }
0x186: {  	v3 =	vperm.xlane v3, v2;
	v4 =	vadd.s32 v1, v4;
	_ =	sdelay $0x1  }
0x187: {  	v3 =	vadd.s32 v1, v3;
	_ =	sdelay $0x2  }
0x188: {  	[tilespmem:s24], [sflag:$0x2] =	stream.indirect_vreg.gather [hbm4b:s1+s3], $0x80, v4, vm0, $0xb8;
	[tilespmem:$0xC280] =	vst v63  }
0x189: {  	_ = 	snop  }
0x18a: {  	[tilespmem:s25], [sflag:$0x2] =	stream.indirect_vreg.gather [hbm4b:s1+s3], $0x80, v3, vm0, $0xb8;
	[tilespmem:$0xC280] =	vst v63  }
0x18b: {  	v3 =	vld [tilespmem:$0x220];
	_ =	sdelay $0x4  }
0x18c: {  	v62 =	vshll.u32 v3, $0x1  }
0x18d: {  	v3 =	vand.u32 $0x7, v3;
	v4 =	vand.u32 $0xFFFFFFF0, v62  }
0x18e: {  	v3 =	vor.u32 v3, v4  }
0x18f: {  	v4 =	vperm.xlane v3, v0;
	_ =	sdelay $0x1  }
0x190: {  	v3 =	vperm.xlane v3, v2;
	v4 =	vadd.s32 v1, v4;
	_ =	sdelay $0x1  }
0x191: {  	v3 =	vadd.s32 v1, v3;
	_ =	sdelay $0x2  }
0x192: {  	[tilespmem:s26], [sflag:$0x2] =	stream.indirect_vreg.gather [hbm4b:s1+s3], $0x80, v4, vm0, $0xb8;
	[tilespmem:$0xC280] =	vst v63  }
0x193: {  	_ = 	snop  }
0x194: {  	[tilespmem:s28], [sflag:$0x2] =	stream.indirect_vreg.gather [hbm4b:s1+s3], $0x80, v3, vm0, $0xb8;
	[tilespmem:$0xC280] =	vst v63  }
0x195: {  	v3 =	vld [tilespmem:$0x230];
	_ =	sdelay $0x4  }
0x196: {  	v63 =	vshll.u32 v3, $0x1  }
0x197: {  	v3 =	vand.u32 $0x7, v3;
	v4 =	vand.u32 $0xFFFFFFF0, v63  }
0x198: {  	v3 =	vor.u32 v3, v4  }
0x199: {  	v4 =	vperm.xlane v3, v0;
	_ =	sdelay $0x1  }
0x19a: {  	v3 =	vperm.xlane v3, v2;
	v4 =	vadd.s32 v1, v4;
	_ =	sdelay $0x1  }
0x19b: {  	v3 =	vadd.s32 v1, v3;
	_ =	sdelay $0x2  }
0x19c: {  	[tilespmem:s29], [sflag:$0x2] =	stream.indirect_vreg.gather [hbm4b:s1+s3], $0x80, v4, vm0, $0xb8;
	[tilespmem:$0xC280] =	vst v63  }
0x19d: {  	_ = 	snop  }
0x19e: {  	[tilespmem:s30], [sflag:$0x2] =	stream.indirect_vreg.gather [hbm4b:s1+s3], $0x80, v3, vm0, $0xb8;
	[tilespmem:$0xC280] =	vst v63  }
0x19f: {  	_ =	swait.ge [sflag:s31], $0x6000  }
0x1a0: {  	[sflag:s31] =	ssyncset.done $0x0  }
0x1a1: {  	s0 =	rddreg [dreg:$0x9];
	[sflag:s31] =	ssyncadd.s32 $0xFFFFA000  }
0x1a2: {  	[hbm4b:s0+s3] =	stream.linear.scatter [tilespmem:s6], [sflag:$0x3], $0x6000, $0x38;
	[tilespmem:$0xC280] =	vst v63  }
0x1a3: {  	_ =	swait.ge [sflag:s5], $0x6000  }
0x1a4: {  	[sflag:s5] =	ssyncset.done $0x0  }
0x1a5: {  	[sflag:s5] =	ssyncadd.s32 $0xFFFFA000  }
0x1a6: {  	_ =	swait.ge [sflag:s2], $0x6000  }
0x1a7: {  	p0 =	sne.s32 s4, $0x1;
	[sflag:s2] =	ssyncset.done $0x0  }
.Ltmp0:
0x1a8: {  	s0 =	rddreg [dreg:$0xa];
	[sflag:s2] =	ssyncadd.s32 $0xFFFFA000;
	(pc) =	sbr.rel @p0 .LBB2_1-.Ltmp0, $4  }
0x1a9: {  	[hbm4b:s0+s3] =	stream.linear.scatter [tilespmem:s18], [sflag:$0x3], $0x6000, $0x38;
	[tilespmem:$0xC280] =	vst v63  }
0x1aa: {  	_ =	swait.ge [sflag:s5], $0x6000  }
0x1ab: {  	[sflag:s5] =	ssyncset.done $0x0  }
0x1ac: {  	s4 =	sadd.s32 $0xFFFFFFFF, s4;
	[sflag:s5] =	ssyncadd.s32 $0xFFFFA000  }
0x1ad: {  	_ =	sfence.sel $0x180000  }
0x1ae: {  	[bflag:$0x0] =	sbarrier.arrive $0xFFFF  }
0x1af: {  	_ =	strace $0x90000047  }
0x1b0: {  	s0 =	stileid.u32;
	[bflag:$0x2] =	sbarrier.arrive $0xFFFF  }
0x1b1: {  	p0 =	sne.s32 s0, $0x0;
	s0 =	rddreg [dreg:$0x3]  }
0x1b2: {  	s0 =	sadd.s32 @!p0 $0x100000, s0  }
0x1b3: {  	[sflag:s0] =	ssyncadd.tile.s32 @!p0 $0x1;
	_ =	shalt  }
.Lfunc_end2:
_tile_overlayer_lowered:
.L_overlay_start_2:
0x1b4: {  	(tag) =	ssettag $0x2  }
0x1b5: {  	s0 =	rddreg [dreg:$0x0];
	s2 =	stileid.u32  }
0x1b6: {  	s1 =	rddreg [dreg:$0x1];
	p0 =	sne.s32 s2, $0x0  }
0x1b7: {  	s3 =	rddreg [dreg:$0x2];
	[bflag:$0x3] =	sbarrier.arrive $0xFFFF;
	s2 =	simm.s32 @!p0 $0x1C03  }
0x1b8: {  	[timem:s3], [sflag:s2] =	dma.local @!p0 [hbm:s0], s1  }
0x1b9: {  	s0 =	simm.s32 @!p0 $0x3  }
0x1ba: {  	_ =	swait.ge @!p0 [sflag:s0], s1  }
0x1bb: {  	s1 =	ssub.s32 @!p0 $0x0, s1;
	[sflag:s0] =	ssyncset.done @!p0 $0x0  }
0x1bc: {  	[sflag:s0] =	ssyncadd.s32 @!p0 s1  }
0x1bd: {  	[bflag:$0x3] =	sbarrier.arrive $0xFFFF  }
0x1be: {  	_ =	shalt  }

</sc_bundles>
